<compile_context>
chip_gen: v7x
topology: tpu7x:2x2x1
jax: 0.10.2.dev20260603
libtpu: 0.0.44.dev20260713+nightly
codegen_flags: <defaults>
</compile_context>

<pallas_src>
import jax
import jax.numpy as jnp
from jax import lax
from jax.experimental import pallas as pl
from jax.experimental.pallas import tpu as pltpu
from jax.experimental.pallas import tpu_sc as plsc

NC = 2
NS = 16
NW = NC * NS


def _gather_body(idx_hbm, table_hbm, out_hbm, idx_v, rows_v, sem_g, sem_o,
                 sem_i):
    L, B = idx_hbm.shape
    D = table_hbm.shape[1]
    CB = B // NW
    wid = lax.axis_index("s") * NC + lax.axis_index("c")
    b0 = wid * CB

    def issue_gather(p, _):
        for j in range(4):
            sub = CB // 4
            pltpu.async_copy(
                table_hbm.at[idx_v.at[p].at[pl.ds(j * sub, sub)]],
                rows_v.at[p].at[pl.ds(j * sub, sub)],
                sem_g,
            )

    def drain_gather(p):
        pltpu.make_async_copy(
            table_hbm.at[pl.ds(0, CB)], rows_v.at[p], sem_g
        ).wait()

    def fetch_idx(l, p):
        return pltpu.async_copy(
            idx_hbm.at[lax.rem(l, L)].at[pl.ds(b0, CB)], idx_v.at[p], sem_i
        )

    def wait_idx(p):
        pltpu.make_async_copy(
            idx_hbm.at[0].at[pl.ds(0, CB)], idx_v.at[p], sem_i
        ).wait()

    def issue_write(l, p):
        return pltpu.async_copy(
            rows_v.at[p],
            out_hbm.at[pl.ds(b0, CB), pl.ds(l * D, D)],
            sem_o,
        )

    def wait_write(p):
        pltpu.make_async_copy(
            rows_v.at[p], out_hbm.at[pl.ds(0, CB), pl.ds(0, D)], sem_o
        ).wait()

    pltpu.sync_copy(idx_hbm.at[0].at[pl.ds(b0, CB)], idx_v.at[0])
    issue_gather(0, None)
    fetch_idx(1, 1)

    def body(l, carry):
        p = lax.rem(l, 2)
        q = 1 - p
        drain_gather(p)

        @pl.when(l > 0)
        def _():
            wait_write(q)

        issue_write(l, p)
        wait_idx(q)
        fetch_idx(l + 2, p)
        issue_gather(q, None)
        return carry

    lax.fori_loop(0, L - 1, body, 0)

    last = L - 1
    p = lax.rem(last, 2)
    drain_gather(p)
    wait_write(1 - p)
    issue_write(last, p)
    wait_idx(1 - p)
    wait_write(p)


def kernel(x, embedding):
    B, L = x.shape
    D = embedding.shape[1]
    assert B % NW == 0
    CB = B // NW
    idx_t = x.T.astype(jnp.int32)

    mesh = plsc.VectorSubcoreMesh(core_axis_name="c", subcore_axis_name="s")
    run = pl.kernel(
        _gather_body,
        out_type=jax.ShapeDtypeStruct((B, L * D), jnp.float32),
        mesh=mesh,
        scratch_types=[
            pltpu.VMEM((2, CB), jnp.int32),
            pltpu.VMEM((2, CB, D), jnp.float32),
            pltpu.SemaphoreType.DMA,
            pltpu.SemaphoreType.DMA,
            pltpu.SemaphoreType.DMA,
        ],
        compiler_params=pltpu.CompilerParams(use_tc_tiling_on_sc=False),
    )
    out = run(idx_t, embedding)
    return out.reshape(B, L, D)

# --- scband reference (transcript-rebuilt; emitter-appended) ---
"""Pipeline reference for scband-embedding-layer-7387343749471 (READ-ONLY COPY).

The authoritative reference and input builder live on the scoring server;
editing this copy changes nothing except your own understanding.
"""

import jax, jax.numpy as jnp
import numpy as np
import math

VOCAB = 1000000
DIM = 64
B = 16384
L = 200

def setup_inputs(seed: int = 0) -> dict:
    key = jax.random.key(seed)
    k1, k2 = jax.random.split(key)
    x = jax.random.randint(k1, (B, L), 0, VOCAB, dtype=jnp.int64 if jax.config.jax_enable_x64 else jnp.int32)
    # kaiming_uniform_ with a=sqrt(5) on a (vocab, dim) tensor: fan_in = dim
    gain = math.sqrt(2.0 / (1.0 + 5.0))
    bound = gain * math.sqrt(3.0 / DIM)
    embedding = jax.random.uniform(k2, (VOCAB, DIM), dtype=jnp.float32, minval=-bound, maxval=bound)
    return {"x": x, "embedding": embedding}

def reference(x, embedding):
    # x is int indices of shape [B, L] -> gather rows from embedding table
    # (einsum branch only triggers for 3D one-hot float input with last dim == vocab)
    if x.ndim == 3 and x.shape[-1] == VOCAB:
        return jnp.einsum('bsv,vd->bsd', x, embedding)
    return jnp.take(embedding, x, axis=0)

if __name__ == "__main__":
    import jax
    _d = setup_inputs()
    print(jax.jit(kernel)(*tuple(_d.values())))

</pallas_src>

<mosaic_0001>
#map = affine_map<(d0, d1) -> (0, 0)>
module attributes {stable_mosaic.version = 14 : i64} {
  func.func @_gather_body(%arg0: i32, %arg1: i32, %arg2: memref<200x16384xi32, #tpu.memory_space<hbm>>, %arg3: memref<1000000x64xf32, #tpu.memory_space<hbm>>, %arg4: memref<16384x12800xf32, #tpu.memory_space<hbm>>, %arg5: memref<2x512xi32, #tpu.memory_space<vmem>>, %arg6: memref<2x512x64xf32, #tpu.memory_space<vmem>>, %arg7: memref<!tpu.dma_semaphore, #tpu.memory_space<semaphore_mem>>, %arg8: memref<!tpu.dma_semaphore, #tpu.memory_space<semaphore_mem>>, %arg9: memref<!tpu.dma_semaphore, #tpu.memory_space<semaphore_mem>>) attributes {dimension_semantics = [#tpu.dimension_semantics<core_parallel>, #tpu.dimension_semantics<subcore_parallel>], iteration_bounds = array<i64: 2, 16>, scalar_prefetch = 0 : i64, scratch_operands = 5 : i64, tpu.core_type = #tpu.core_type<sc_vector_subcore>, window_params = [{transform_indices = #map}, {transform_indices = #map}, {transform_indices = #map}]} {
    %mul3A = arith.constant 2 : i32
    %mul3A_0 = arith.muli %arg1, %mul3A : i32
    %add3A = arith.addi %mul3A_0, %arg0 : i32
    %mul3A_1 = arith.constant 512 : i32
    %mul3A_2 = arith.muli %add3A, %mul3A_1 : i32
    %run_scoped3A = arith.constant 0 : i32
    %run_scoped3A_3 = arith.constant 0 : i32
    "tpu.region"() ({
      %run_scoped3A_169 = tpu.sem_alloc : memref<!tpu.dma_semaphore, #tpu.memory_space<semaphore_mem>>
      %dma_start3A_170 = arith.constant 0 : i32
      %dma_start3A_171 = tpu.memref_slice %arg5[%run_scoped3A_3, %dma_start3A_170] : memref<2x512xi32, #tpu.memory_space<vmem>> -> memref<1x512xi32, #tpu.memory_space<vmem>>
      %dma_start3A_172 = tpu.memref_squeeze %dma_start3A_171 : memref<1x512xi32, #tpu.memory_space<vmem>> -> memref<512xi32, #tpu.memory_space<vmem>>
      %dma_start3A_173 = arith.constant 0 : i32
      %dma_start3A_174 = tpu.memref_slice %arg2[%run_scoped3A, %dma_start3A_173] : memref<200x16384xi32, #tpu.memory_space<hbm>> -> memref<1x16384xi32, #tpu.memory_space<hbm>>
      %dma_start3A_175 = tpu.memref_squeeze %dma_start3A_174 : memref<1x16384xi32, #tpu.memory_space<hbm>> -> memref<16384xi32, #tpu.memory_space<hbm>>
      %dma_start3A_176 = tpu.memref_slice %dma_start3A_175[%mul3A_2] : memref<16384xi32, #tpu.memory_space<hbm>> -> memref<512xi32, #tpu.memory_space<hbm>>
      %dma_start3A_177 = arith.constant 0 : i32
      %dma_start3A_178 = tpu.memref_slice %arg5[%run_scoped3A_3, %dma_start3A_177] : memref<2x512xi32, #tpu.memory_space<vmem>> -> memref<1x512xi32, #tpu.memory_space<vmem>>
      %dma_start3A_179 = tpu.memref_squeeze %dma_start3A_178 : memref<1x512xi32, #tpu.memory_space<vmem>> -> memref<512xi32, #tpu.memory_space<vmem>>
      %dma_start3A_180 = arith.constant 0 : i32
      %dma_start3A_181 = tpu.memref_slice %arg2[%run_scoped3A, %dma_start3A_180] : memref<200x16384xi32, #tpu.memory_space<hbm>> -> memref<1x16384xi32, #tpu.memory_space<hbm>>
      %dma_start3A_182 = tpu.memref_squeeze %dma_start3A_181 : memref<1x16384xi32, #tpu.memory_space<hbm>> -> memref<16384xi32, #tpu.memory_space<hbm>>
      %dma_start3A_183 = tpu.memref_slice %dma_start3A_182[%mul3A_2] : memref<16384xi32, #tpu.memory_space<hbm>> -> memref<512xi32, #tpu.memory_space<hbm>>
      tpu.enqueue_dma source(%dma_start3A_183 : memref<512xi32, #tpu.memory_space<hbm>>) target(%dma_start3A_179 : memref<512xi32, #tpu.memory_space<vmem>>) target_semaphore(%run_scoped3A_169 : memref<!tpu.dma_semaphore, #tpu.memory_space<semaphore_mem>>)
      %dma_wait3A_184 = arith.constant 0 : i32
      %dma_wait3A_185 = tpu.memref_slice %arg5[%run_scoped3A_3, %dma_wait3A_184] : memref<2x512xi32, #tpu.memory_space<vmem>> -> memref<1x512xi32, #tpu.memory_space<vmem>>
      %dma_wait3A_186 = tpu.memref_squeeze %dma_wait3A_185 : memref<1x512xi32, #tpu.memory_space<vmem>> -> memref<512xi32, #tpu.memory_space<vmem>>
      %dma_wait3A_187 = arith.constant 0 : i32
      %dma_wait3A_188 = tpu.memref_slice %arg2[%run_scoped3A, %dma_wait3A_187] : memref<200x16384xi32, #tpu.memory_space<hbm>> -> memref<1x16384xi32, #tpu.memory_space<hbm>>
      %dma_wait3A_189 = tpu.memref_squeeze %dma_wait3A_188 : memref<1x16384xi32, #tpu.memory_space<hbm>> -> memref<16384xi32, #tpu.memory_space<hbm>>
      %dma_wait3A_190 = tpu.memref_slice %dma_wait3A_189[%mul3A_2] : memref<16384xi32, #tpu.memory_space<hbm>> -> memref<512xi32, #tpu.memory_space<hbm>>
      %dma_wait3A_191 = arith.constant 0 : i32
      %dma_wait3A_192 = tpu.memref_slice %arg5[%run_scoped3A_3, %dma_wait3A_191] : memref<2x512xi32, #tpu.memory_space<vmem>> -> memref<1x512xi32, #tpu.memory_space<vmem>>
      %dma_wait3A_193 = tpu.memref_squeeze %dma_wait3A_192 : memref<1x512xi32, #tpu.memory_space<vmem>> -> memref<512xi32, #tpu.memory_space<vmem>>
      %dma_wait3A_194 = arith.constant 0 : i32
      %dma_wait3A_195 = tpu.memref_slice %arg2[%run_scoped3A, %dma_wait3A_194] : memref<200x16384xi32, #tpu.memory_space<hbm>> -> memref<1x16384xi32, #tpu.memory_space<hbm>>
      %dma_wait3A_196 = tpu.memref_squeeze %dma_wait3A_195 : memref<1x16384xi32, #tpu.memory_space<hbm>> -> memref<16384xi32, #tpu.memory_space<hbm>>
      %dma_wait3A_197 = tpu.memref_slice %dma_wait3A_196[%mul3A_2] : memref<16384xi32, #tpu.memory_space<hbm>> -> memref<512xi32, #tpu.memory_space<hbm>>
      tpu.wait_dma2 semaphore(%run_scoped3A_169 : memref<!tpu.dma_semaphore, #tpu.memory_space<semaphore_mem>>) src(%dma_wait3A_197 : memref<512xi32, #tpu.memory_space<hbm>>) dst(%dma_wait3A_193 : memref<512xi32, #tpu.memory_space<vmem>>)
      tpu.yield
    }) : () -> ()
    %dma_start3A = arith.constant 0 : i32
    %dma_start3A_4 = arith.constant 0 : i32
    %dma_start3A_5 = arith.constant 0 : i32
    %dma_start3A_6 = arith.constant 0 : i32
    %dma_start3A_7 = tpu.memref_slice %arg6[%dma_start3A_4, %dma_start3A_5, %dma_start3A_6] : memref<2x512x64xf32, #tpu.memory_space<vmem>> -> memref<1x512x64xf32, #tpu.memory_space<vmem>>
    %dma_start3A_8 = tpu.memref_squeeze %dma_start3A_7 : memref<1x512x64xf32, #tpu.memory_space<vmem>> -> memref<512x64xf32, #tpu.memory_space<vmem>>
    %dma_start3A_9 = arith.constant 0 : i32
    %dma_start3A_10 = arith.constant 0 : i32
    %dma_start3A_11 = tpu.memref_slice %dma_start3A_8[%dma_start3A_9, %dma_start3A_10] : memref<512x64xf32, #tpu.memory_space<vmem>> -> memref<128x64xf32, #tpu.memory_space<vmem>>
    %dma_start3A_12 = arith.constant 0 : i32
    %dma_start3A_13 = tpu.memref_slice %arg5[%dma_start3A, %dma_start3A_12] : memref<2x512xi32, #tpu.memory_space<vmem>> -> memref<1x512xi32, #tpu.memory_space<vmem>>
    %dma_start3A_14 = tpu.memref_squeeze %dma_start3A_13 : memref<1x512xi32, #tpu.memory_space<vmem>> -> memref<512xi32, #tpu.memory_space<vmem>>
    %dma_start3A_15 = arith.constant 0 : i32
    %dma_start3A_16 = tpu.memref_slice %dma_start3A_14[%dma_start3A_15] : memref<512xi32, #tpu.memory_space<vmem>> -> memref<128xi32, #tpu.memory_space<vmem>>
    %dma_start3A_17 = arith.constant 0 : i32
    %dma_start3A_18 = arith.constant 0 : i32
    %dma_start3A_19 = tpu.memref_slice %arg3[%dma_start3A_17, %dma_start3A_18] : memref<1000000x64xf32, #tpu.memory_space<hbm>> -> memref<1000000x64xf32, #tpu.memory_space<hbm>>
    tpu.enqueue_indirect_dma source(%dma_start3A_19 : memref<1000000x64xf32, #tpu.memory_space<hbm>>) target(%dma_start3A_11 : memref<128x64xf32, #tpu.memory_space<vmem>>) offsets(%dma_start3A_16 : memref<128xi32, #tpu.memory_space<vmem>>) semaphore(%arg7 : memref<!tpu.dma_semaphore, #tpu.memory_space<semaphore_mem>>)
    %dma_start3A_20 = arith.constant 0 : i32
    %dma_start3A_21 = arith.constant 0 : i32
    %dma_start3A_22 = arith.constant 0 : i32
    %dma_start3A_23 = arith.constant 0 : i32
    %dma_start3A_24 = tpu.memref_slice %arg6[%dma_start3A_21, %dma_start3A_22, %dma_start3A_23] : memref<2x512x64xf32, #tpu.memory_space<vmem>> -> memref<1x512x64xf32, #tpu.memory_space<vmem>>
    %dma_start3A_25 = tpu.memref_squeeze %dma_start3A_24 : memref<1x512x64xf32, #tpu.memory_space<vmem>> -> memref<512x64xf32, #tpu.memory_space<vmem>>
    %dma_start3A_26 = arith.constant 128 : i32
    %dma_start3A_27 = arith.constant 0 : i32
    %dma_start3A_28 = tpu.memref_slice %dma_start3A_25[%dma_start3A_26, %dma_start3A_27] : memref<512x64xf32, #tpu.memory_space<vmem>> -> memref<128x64xf32, #tpu.memory_space<vmem>>
    %dma_start3A_29 = arith.constant 0 : i32
    %dma_start3A_30 = tpu.memref_slice %arg5[%dma_start3A_20, %dma_start3A_29] : memref<2x512xi32, #tpu.memory_space<vmem>> -> memref<1x512xi32, #tpu.memory_space<vmem>>
    %dma_start3A_31 = tpu.memref_squeeze %dma_start3A_30 : memref<1x512xi32, #tpu.memory_space<vmem>> -> memref<512xi32, #tpu.memory_space<vmem>>
    %dma_start3A_32 = arith.constant 128 : i32
    %dma_start3A_33 = tpu.memref_slice %dma_start3A_31[%dma_start3A_32] : memref<512xi32, #tpu.memory_space<vmem>> -> memref<128xi32, #tpu.memory_space<vmem>>
    %dma_start3A_34 = arith.constant 0 : i32
    %dma_start3A_35 = arith.constant 0 : i32
    %dma_start3A_36 = tpu.memref_slice %arg3[%dma_start3A_34, %dma_start3A_35] : memref<1000000x64xf32, #tpu.memory_space<hbm>> -> memref<1000000x64xf32, #tpu.memory_space<hbm>>
    tpu.enqueue_indirect_dma source(%dma_start3A_36 : memref<1000000x64xf32, #tpu.memory_space<hbm>>) target(%dma_start3A_28 : memref<128x64xf32, #tpu.memory_space<vmem>>) offsets(%dma_start3A_33 : memref<128xi32, #tpu.memory_space<vmem>>) semaphore(%arg7 : memref<!tpu.dma_semaphore, #tpu.memory_space<semaphore_mem>>)
    %dma_start3A_37 = arith.constant 0 : i32
    %dma_start3A_38 = arith.constant 0 : i32
    %dma_start3A_39 = arith.constant 0 : i32
    %dma_start3A_40 = arith.constant 0 : i32
    %dma_start3A_41 = tpu.memref_slice %arg6[%dma_start3A_38, %dma_start3A_39, %dma_start3A_40] : memref<2x512x64xf32, #tpu.memory_space<vmem>> -> memref<1x512x64xf32, #tpu.memory_space<vmem>>
    %dma_start3A_42 = tpu.memref_squeeze %dma_start3A_41 : memref<1x512x64xf32, #tpu.memory_space<vmem>> -> memref<512x64xf32, #tpu.memory_space<vmem>>
    %dma_start3A_43 = arith.constant 256 : i32
    %dma_start3A_44 = arith.constant 0 : i32
    %dma_start3A_45 = tpu.memref_slice %dma_start3A_42[%dma_start3A_43, %dma_start3A_44] : memref<512x64xf32, #tpu.memory_space<vmem>> -> memref<128x64xf32, #tpu.memory_space<vmem>>
    %dma_start3A_46 = arith.constant 0 : i32
    %dma_start3A_47 = tpu.memref_slice %arg5[%dma_start3A_37, %dma_start3A_46] : memref<2x512xi32, #tpu.memory_space<vmem>> -> memref<1x512xi32, #tpu.memory_space<vmem>>
    %dma_start3A_48 = tpu.memref_squeeze %dma_start3A_47 : memref<1x512xi32, #tpu.memory_space<vmem>> -> memref<512xi32, #tpu.memory_space<vmem>>
    %dma_start3A_49 = arith.constant 256 : i32
    %dma_start3A_50 = tpu.memref_slice %dma_start3A_48[%dma_start3A_49] : memref<512xi32, #tpu.memory_space<vmem>> -> memref<128xi32, #tpu.memory_space<vmem>>
    %dma_start3A_51 = arith.constant 0 : i32
    %dma_start3A_52 = arith.constant 0 : i32
    %dma_start3A_53 = tpu.memref_slice %arg3[%dma_start3A_51, %dma_start3A_52] : memref<1000000x64xf32, #tpu.memory_space<hbm>> -> memref<1000000x64xf32, #tpu.memory_space<hbm>>
    tpu.enqueue_indirect_dma source(%dma_start3A_53 : memref<1000000x64xf32, #tpu.memory_space<hbm>>) target(%dma_start3A_45 : memref<128x64xf32, #tpu.memory_space<vmem>>) offsets(%dma_start3A_50 : memref<128xi32, #tpu.memory_space<vmem>>) semaphore(%arg7 : memref<!tpu.dma_semaphore, #tpu.memory_space<semaphore_mem>>)
    %dma_start3A_54 = arith.constant 0 : i32
    %dma_start3A_55 = arith.constant 0 : i32
    %dma_start3A_56 = arith.constant 0 : i32
    %dma_start3A_57 = arith.constant 0 : i32
    %dma_start3A_58 = tpu.memref_slice %arg6[%dma_start3A_55, %dma_start3A_56, %dma_start3A_57] : memref<2x512x64xf32, #tpu.memory_space<vmem>> -> memref<1x512x64xf32, #tpu.memory_space<vmem>>
    %dma_start3A_59 = tpu.memref_squeeze %dma_start3A_58 : memref<1x512x64xf32, #tpu.memory_space<vmem>> -> memref<512x64xf32, #tpu.memory_space<vmem>>
    %dma_start3A_60 = arith.constant 384 : i32
    %dma_start3A_61 = arith.constant 0 : i32
    %dma_start3A_62 = tpu.memref_slice %dma_start3A_59[%dma_start3A_60, %dma_start3A_61] : memref<512x64xf32, #tpu.memory_space<vmem>> -> memref<128x64xf32, #tpu.memory_space<vmem>>
    %dma_start3A_63 = arith.constant 0 : i32
    %dma_start3A_64 = tpu.memref_slice %arg5[%dma_start3A_54, %dma_start3A_63] : memref<2x512xi32, #tpu.memory_space<vmem>> -> memref<1x512xi32, #tpu.memory_space<vmem>>
    %dma_start3A_65 = tpu.memref_squeeze %dma_start3A_64 : memref<1x512xi32, #tpu.memory_space<vmem>> -> memref<512xi32, #tpu.memory_space<vmem>>
    %dma_start3A_66 = arith.constant 384 : i32
    %dma_start3A_67 = tpu.memref_slice %dma_start3A_65[%dma_start3A_66] : memref<512xi32, #tpu.memory_space<vmem>> -> memref<128xi32, #tpu.memory_space<vmem>>
    %dma_start3A_68 = arith.constant 0 : i32
    %dma_start3A_69 = arith.constant 0 : i32
    %dma_start3A_70 = tpu.memref_slice %arg3[%dma_start3A_68, %dma_start3A_69] : memref<1000000x64xf32, #tpu.memory_space<hbm>> -> memref<1000000x64xf32, #tpu.memory_space<hbm>>
    tpu.enqueue_indirect_dma source(%dma_start3A_70 : memref<1000000x64xf32, #tpu.memory_space<hbm>>) target(%dma_start3A_62 : memref<128x64xf32, #tpu.memory_space<vmem>>) offsets(%dma_start3A_67 : memref<128xi32, #tpu.memory_space<vmem>>) semaphore(%arg7 : memref<!tpu.dma_semaphore, #tpu.memory_space<semaphore_mem>>)
    %rem3A = arith.constant 1 : i32
    %rem3A_71 = arith.constant 200 : i32
    %rem3A_72 = arith.remsi %rem3A, %rem3A_71 : i32
    %dma_start3A_73 = arith.constant 1 : i32
    %dma_start3A_74 = arith.constant 0 : i32
    %dma_start3A_75 = tpu.memref_slice %arg5[%dma_start3A_73, %dma_start3A_74] : memref<2x512xi32, #tpu.memory_space<vmem>> -> memref<1x512xi32, #tpu.memory_space<vmem>>
    %dma_start3A_76 = tpu.memref_squeeze %dma_start3A_75 : memref<1x512xi32, #tpu.memory_space<vmem>> -> memref<512xi32, #tpu.memory_space<vmem>>
    %dma_start3A_77 = arith.constant 0 : i32
    %dma_start3A_78 = tpu.memref_slice %arg2[%rem3A_72, %dma_start3A_77] : memref<200x16384xi32, #tpu.memory_space<hbm>> -> memref<1x16384xi32, #tpu.memory_space<hbm>>
    %dma_start3A_79 = tpu.memref_squeeze %dma_start3A_78 : memref<1x16384xi32, #tpu.memory_space<hbm>> -> memref<16384xi32, #tpu.memory_space<hbm>>
    %dma_start3A_80 = tpu.memref_slice %dma_start3A_79[%mul3A_2] : memref<16384xi32, #tpu.memory_space<hbm>> -> memref<512xi32, #tpu.memory_space<hbm>>
    %dma_start3A_81 = arith.constant 0 : i32
    %dma_start3A_82 = tpu.memref_slice %arg5[%dma_start3A_73, %dma_start3A_81] : memref<2x512xi32, #tpu.memory_space<vmem>> -> memref<1x512xi32, #tpu.memory_space<vmem>>
    %dma_start3A_83 = tpu.memref_squeeze %dma_start3A_82 : memref<1x512xi32, #tpu.memory_space<vmem>> -> memref<512xi32, #tpu.memory_space<vmem>>
    %dma_start3A_84 = arith.constant 0 : i32
    %dma_start3A_85 = tpu.memref_slice %arg2[%rem3A_72, %dma_start3A_84] : memref<200x16384xi32, #tpu.memory_space<hbm>> -> memref<1x16384xi32, #tpu.memory_space<hbm>>
    %dma_start3A_86 = tpu.memref_squeeze %dma_start3A_85 : memref<1x16384xi32, #tpu.memory_space<hbm>> -> memref<16384xi32, #tpu.memory_space<hbm>>
    %dma_start3A_87 = tpu.memref_slice %dma_start3A_86[%mul3A_2] : memref<16384xi32, #tpu.memory_space<hbm>> -> memref<512xi32, #tpu.memory_space<hbm>>
    tpu.enqueue_dma source(%dma_start3A_87 : memref<512xi32, #tpu.memory_space<hbm>>) target(%dma_start3A_83 : memref<512xi32, #tpu.memory_space<vmem>>) target_semaphore(%arg9 : memref<!tpu.dma_semaphore, #tpu.memory_space<semaphore_mem>>)
    %scan3A = arith.constant 0 : i32
    %scan3A_88 = arith.constant 0 : i32
    %scan3A_89 = arith.constant 199 : i32
    %scan3A_90 = arith.addi %scan3A_88, %scan3A_89 : i32
    %scan3A_91 = arith.constant 1 : i32
    scf.for %scan3A_169 = %scan3A_88 to %scan3A_90 step %scan3A_91  : i32 {
      %rem3A_170 = arith.constant 2 : i32
      %rem3A_171 = arith.remsi %scan3A_169, %rem3A_170 : i32
      %sub3A_172 = arith.constant 1 : i32
      %sub3A_173 = arith.subi %sub3A_172, %rem3A_171 : i32
      %dma_wait3A_174 = arith.constant 0 : i32
      %dma_wait3A_175 = arith.constant 0 : i32
      %dma_wait3A_176 = tpu.memref_slice %arg6[%rem3A_171, %dma_wait3A_174, %dma_wait3A_175] : memref<2x512x64xf32, #tpu.memory_space<vmem>> -> memref<1x512x64xf32, #tpu.memory_space<vmem>>
      %dma_wait3A_177 = tpu.memref_squeeze %dma_wait3A_176 : memref<1x512x64xf32, #tpu.memory_space<vmem>> -> memref<512x64xf32, #tpu.memory_space<vmem>>
      %dma_wait3A_178 = arith.constant 0 : i32
      %dma_wait3A_179 = arith.constant 0 : i32
      %dma_wait3A_180 = tpu.memref_slice %arg3[%dma_wait3A_178, %dma_wait3A_179] : memref<1000000x64xf32, #tpu.memory_space<hbm>> -> memref<512x64xf32, #tpu.memory_space<hbm>>
      %dma_wait3A_181 = arith.constant 0 : i32
      %dma_wait3A_182 = arith.constant 0 : i32
      %dma_wait3A_183 = tpu.memref_slice %arg6[%rem3A_171, %dma_wait3A_181, %dma_wait3A_182] : memref<2x512x64xf32, #tpu.memory_space<vmem>> -> memref<1x512x64xf32, #tpu.memory_space<vmem>>
      %dma_wait3A_184 = tpu.memref_squeeze %dma_wait3A_183 : memref<1x512x64xf32, #tpu.memory_space<vmem>> -> memref<512x64xf32, #tpu.memory_space<vmem>>
      %dma_wait3A_185 = arith.constant 0 : i32
      %dma_wait3A_186 = arith.constant 0 : i32
      %dma_wait3A_187 = tpu.memref_slice %arg3[%dma_wait3A_185, %dma_wait3A_186] : memref<1000000x64xf32, #tpu.memory_space<hbm>> -> memref<512x64xf32, #tpu.memory_space<hbm>>
      tpu.wait_dma2 semaphore(%arg7 : memref<!tpu.dma_semaphore, #tpu.memory_space<semaphore_mem>>) src(%dma_wait3A_187 : memref<512x64xf32, #tpu.memory_space<hbm>>) dst(%dma_wait3A_184 : memref<512x64xf32, #tpu.memory_space<vmem>>)
      %gt3A = arith.constant 0 : i32
      %gt3A_188 = arith.cmpi sgt, %scan3A_169, %gt3A : i32
      %convert_element_type3A = arith.extui %gt3A_188 : i1 to i32
      %cond3A = arith.constant 0 : i32
      %cond3A_189 = arith.cmpi ne, %convert_element_type3A, %cond3A : i32
      scf.if %cond3A_189 {
        %dma_wait3A_297 = arith.constant 0 : i32
        %dma_wait3A_298 = arith.constant 0 : i32
        %dma_wait3A_299 = tpu.memref_slice %arg6[%sub3A_173, %dma_wait3A_297, %dma_wait3A_298] : memref<2x512x64xf32, #tpu.memory_space<vmem>> -> memref<1x512x64xf32, #tpu.memory_space<vmem>>
        %dma_wait3A_300 = tpu.memref_squeeze %dma_wait3A_299 : memref<1x512x64xf32, #tpu.memory_space<vmem>> -> memref<512x64xf32, #tpu.memory_space<vmem>>
        %dma_wait3A_301 = arith.constant 0 : i32
        %dma_wait3A_302 = arith.constant 0 : i32
        %dma_wait3A_303 = tpu.memref_slice %arg4[%dma_wait3A_301, %dma_wait3A_302] : memref<16384x12800xf32, #tpu.memory_space<hbm>> -> memref<512x64xf32, #tpu.memory_space<hbm>>
        %dma_wait3A_304 = arith.constant 0 : i32
        %dma_wait3A_305 = arith.constant 0 : i32
        %dma_wait3A_306 = tpu.memref_slice %arg4[%dma_wait3A_304, %dma_wait3A_305] : memref<16384x12800xf32, #tpu.memory_space<hbm>> -> memref<512x64xf32, #tpu.memory_space<hbm>>
        %dma_wait3A_307 = arith.constant 0 : i32
        %dma_wait3A_308 = arith.constant 0 : i32
        %dma_wait3A_309 = tpu.memref_slice %arg6[%sub3A_173, %dma_wait3A_307, %dma_wait3A_308] : memref<2x512x64xf32, #tpu.memory_space<vmem>> -> memref<1x512x64xf32, #tpu.memory_space<vmem>>
        %dma_wait3A_310 = tpu.memref_squeeze %dma_wait3A_309 : memref<1x512x64xf32, #tpu.memory_space<vmem>> -> memref<512x64xf32, #tpu.memory_space<vmem>>
        tpu.wait_dma2 semaphore(%arg8 : memref<!tpu.dma_semaphore, #tpu.memory_space<semaphore_mem>>) src(%dma_wait3A_310 : memref<512x64xf32, #tpu.memory_space<vmem>>) dst(%dma_wait3A_306 : memref<512x64xf32, #tpu.memory_space<hbm>>)
      } else {
      }
      %mul3A_190 = arith.constant 64 : i32
      %mul3A_191 = arith.muli %scan3A_169, %mul3A_190 : i32
      %dma_start3A_192 = arith.constant 0 : i32
      %dma_start3A_193 = arith.constant 0 : i32
      %dma_start3A_194 = tpu.memref_slice %arg6[%rem3A_171, %dma_start3A_192, %dma_start3A_193] : memref<2x512x64xf32, #tpu.memory_space<vmem>> -> memref<1x512x64xf32, #tpu.memory_space<vmem>>
      %dma_start3A_195 = tpu.memref_squeeze %dma_start3A_194 : memref<1x512x64xf32, #tpu.memory_space<vmem>> -> memref<512x64xf32, #tpu.memory_space<vmem>>
      %dma_start3A_196 = tpu.memref_slice %arg4[%mul3A_2, %mul3A_191] : memref<16384x12800xf32, #tpu.memory_space<hbm>> -> memref<512x64xf32, #tpu.memory_space<hbm>>
      %dma_start3A_197 = tpu.memref_slice %arg4[%mul3A_2, %mul3A_191] : memref<16384x12800xf32, #tpu.memory_space<hbm>> -> memref<512x64xf32, #tpu.memory_space<hbm>>
      %dma_start3A_198 = arith.constant 0 : i32
      %dma_start3A_199 = arith.constant 0 : i32
      %dma_start3A_200 = tpu.memref_slice %arg6[%rem3A_171, %dma_start3A_198, %dma_start3A_199] : memref<2x512x64xf32, #tpu.memory_space<vmem>> -> memref<1x512x64xf32, #tpu.memory_space<vmem>>
      %dma_start3A_201 = tpu.memref_squeeze %dma_start3A_200 : memref<1x512x64xf32, #tpu.memory_space<vmem>> -> memref<512x64xf32, #tpu.memory_space<vmem>>
      tpu.enqueue_dma source(%dma_start3A_201 : memref<512x64xf32, #tpu.memory_space<vmem>>) target(%dma_start3A_197 : memref<512x64xf32, #tpu.memory_space<hbm>>) target_semaphore(%arg8 : memref<!tpu.dma_semaphore, #tpu.memory_space<semaphore_mem>>)
      %dma_wait3A_202 = arith.constant 0 : i32
      %dma_wait3A_203 = arith.constant 0 : i32
      %dma_wait3A_204 = tpu.memref_slice %arg5[%sub3A_173, %dma_wait3A_203] : memref<2x512xi32, #tpu.memory_space<vmem>> -> memref<1x512xi32, #tpu.memory_space<vmem>>
      %dma_wait3A_205 = tpu.memref_squeeze %dma_wait3A_204 : memref<1x512xi32, #tpu.memory_space<vmem>> -> memref<512xi32, #tpu.memory_space<vmem>>
      %dma_wait3A_206 = arith.constant 0 : i32
      %dma_wait3A_207 = tpu.memref_slice %arg2[%dma_wait3A_202, %dma_wait3A_206] : memref<200x16384xi32, #tpu.memory_space<hbm>> -> memref<1x16384xi32, #tpu.memory_space<hbm>>
      %dma_wait3A_208 = tpu.memref_squeeze %dma_wait3A_207 : memref<1x16384xi32, #tpu.memory_space<hbm>> -> memref<16384xi32, #tpu.memory_space<hbm>>
      %dma_wait3A_209 = arith.constant 0 : i32
      %dma_wait3A_210 = tpu.memref_slice %dma_wait3A_208[%dma_wait3A_209] : memref<16384xi32, #tpu.memory_space<hbm>> -> memref<512xi32, #tpu.memory_space<hbm>>
      %dma_wait3A_211 = arith.constant 0 : i32
      %dma_wait3A_212 = tpu.memref_slice %arg5[%sub3A_173, %dma_wait3A_211] : memref<2x512xi32, #tpu.memory_space<vmem>> -> memref<1x512xi32, #tpu.memory_space<vmem>>
      %dma_wait3A_213 = tpu.memref_squeeze %dma_wait3A_212 : memref<1x512xi32, #tpu.memory_space<vmem>> -> memref<512xi32, #tpu.memory_space<vmem>>
      %dma_wait3A_214 = arith.constant 0 : i32
      %dma_wait3A_215 = tpu.memref_slice %arg2[%dma_wait3A_202, %dma_wait3A_214] : memref<200x16384xi32, #tpu.memory_space<hbm>> -> memref<1x16384xi32, #tpu.memory_space<hbm>>
      %dma_wait3A_216 = tpu.memref_squeeze %dma_wait3A_215 : memref<1x16384xi32, #tpu.memory_space<hbm>> -> memref<16384xi32, #tpu.memory_space<hbm>>
      %dma_wait3A_217 = arith.constant 0 : i32
      %dma_wait3A_218 = tpu.memref_slice %dma_wait3A_216[%dma_wait3A_217] : memref<16384xi32, #tpu.memory_space<hbm>> -> memref<512xi32, #tpu.memory_space<hbm>>
      tpu.wait_dma2 semaphore(%arg9 : memref<!tpu.dma_semaphore, #tpu.memory_space<semaphore_mem>>) src(%dma_wait3A_218 : memref<512xi32, #tpu.memory_space<hbm>>) dst(%dma_wait3A_213 : memref<512xi32, #tpu.memory_space<vmem>>)
      %add3A_219 = arith.constant 2 : i32
      %add3A_220 = arith.addi %scan3A_169, %add3A_219 : i32
      %rem3A_221 = arith.constant 200 : i32
      %rem3A_222 = arith.remsi %add3A_220, %rem3A_221 : i32
      %dma_start3A_223 = arith.constant 0 : i32
      %dma_start3A_224 = tpu.memref_slice %arg5[%rem3A_171, %dma_start3A_223] : memref<2x512xi32, #tpu.memory_space<vmem>> -> memref<1x512xi32, #tpu.memory_space<vmem>>
      %dma_start3A_225 = tpu.memref_squeeze %dma_start3A_224 : memref<1x512xi32, #tpu.memory_space<vmem>> -> memref<512xi32, #tpu.memory_space<vmem>>
      %dma_start3A_226 = arith.constant 0 : i32
      %dma_start3A_227 = tpu.memref_slice %arg2[%rem3A_222, %dma_start3A_226] : memref<200x16384xi32, #tpu.memory_space<hbm>> -> memref<1x16384xi32, #tpu.memory_space<hbm>>
      %dma_start3A_228 = tpu.memref_squeeze %dma_start3A_227 : memref<1x16384xi32, #tpu.memory_space<hbm>> -> memref<16384xi32, #tpu.memory_space<hbm>>
      %dma_start3A_229 = tpu.memref_slice %dma_start3A_228[%mul3A_2] : memref<16384xi32, #tpu.memory_space<hbm>> -> memref<512xi32, #tpu.memory_space<hbm>>
      %dma_start3A_230 = arith.constant 0 : i32
      %dma_start3A_231 = tpu.memref_slice %arg5[%rem3A_171, %dma_start3A_230] : memref<2x512xi32, #tpu.memory_space<vmem>> -> memref<1x512xi32, #tpu.memory_space<vmem>>
      %dma_start3A_232 = tpu.memref_squeeze %dma_start3A_231 : memref<1x512xi32, #tpu.memory_space<vmem>> -> memref<512xi32, #tpu.memory_space<vmem>>
      %dma_start3A_233 = arith.constant 0 : i32
      %dma_start3A_234 = tpu.memref_slice %arg2[%rem3A_222, %dma_start3A_233] : memref<200x16384xi32, #tpu.memory_space<hbm>> -> memref<1x16384xi32, #tpu.memory_space<hbm>>
      %dma_start3A_235 = tpu.memref_squeeze %dma_start3A_234 : memref<1x16384xi32, #tpu.memory_space<hbm>> -> memref<16384xi32, #tpu.memory_space<hbm>>
      %dma_start3A_236 = tpu.memref_slice %dma_start3A_235[%mul3A_2] : memref<16384xi32, #tpu.memory_space<hbm>> -> memref<512xi32, #tpu.memory_space<hbm>>
      tpu.enqueue_dma source(%dma_start3A_236 : memref<512xi32, #tpu.memory_space<hbm>>) target(%dma_start3A_232 : memref<512xi32, #tpu.memory_space<vmem>>) target_semaphore(%arg9 : memref<!tpu.dma_semaphore, #tpu.memory_space<semaphore_mem>>)
      %dma_start3A_237 = arith.constant 0 : i32
      %dma_start3A_238 = arith.constant 0 : i32
      %dma_start3A_239 = tpu.memref_slice %arg6[%sub3A_173, %dma_start3A_237, %dma_start3A_238] : memref<2x512x64xf32, #tpu.memory_space<vmem>> -> memref<1x512x64xf32, #tpu.memory_space<vmem>>
      %dma_start3A_240 = tpu.memref_squeeze %dma_start3A_239 : memref<1x512x64xf32, #tpu.memory_space<vmem>> -> memref<512x64xf32, #tpu.memory_space<vmem>>
      %dma_start3A_241 = arith.constant 0 : i32
      %dma_start3A_242 = arith.constant 0 : i32
      %dma_start3A_243 = tpu.memref_slice %dma_start3A_240[%dma_start3A_241, %dma_start3A_242] : memref<512x64xf32, #tpu.memory_space<vmem>> -> memref<128x64xf32, #tpu.memory_space<vmem>>
      %dma_start3A_244 = arith.constant 0 : i32
      %dma_start3A_245 = tpu.memref_slice %arg5[%sub3A_173, %dma_start3A_244] : memref<2x512xi32, #tpu.memory_space<vmem>> -> memref<1x512xi32, #tpu.memory_space<vmem>>
      %dma_start3A_246 = tpu.memref_squeeze %dma_start3A_245 : memref<1x512xi32, #tpu.memory_space<vmem>> -> memref<512xi32, #tpu.memory_space<vmem>>
      %dma_start3A_247 = arith.constant 0 : i32
      %dma_start3A_248 = tpu.memref_slice %dma_start3A_246[%dma_start3A_247] : memref<512xi32, #tpu.memory_space<vmem>> -> memref<128xi32, #tpu.memory_space<vmem>>
      %dma_start3A_249 = arith.constant 0 : i32
      %dma_start3A_250 = arith.constant 0 : i32
      %dma_start3A_251 = tpu.memref_slice %arg3[%dma_start3A_249, %dma_start3A_250] : memref<1000000x64xf32, #tpu.memory_space<hbm>> -> memref<1000000x64xf32, #tpu.memory_space<hbm>>
      tpu.enqueue_indirect_dma source(%dma_start3A_251 : memref<1000000x64xf32, #tpu.memory_space<hbm>>) target(%dma_start3A_243 : memref<128x64xf32, #tpu.memory_space<vmem>>) offsets(%dma_start3A_248 : memref<128xi32, #tpu.memory_space<vmem>>) semaphore(%arg7 : memref<!tpu.dma_semaphore, #tpu.memory_space<semaphore_mem>>)
      %dma_start3A_252 = arith.constant 0 : i32
      %dma_start3A_253 = arith.constant 0 : i32
      %dma_start3A_254 = tpu.memref_slice %arg6[%sub3A_173, %dma_start3A_252, %dma_start3A_253] : memref<2x512x64xf32, #tpu.memory_space<vmem>> -> memref<1x512x64xf32, #tpu.memory_space<vmem>>
      %dma_start3A_255 = tpu.memref_squeeze %dma_start3A_254 : memref<1x512x64xf32, #tpu.memory_space<vmem>> -> memref<512x64xf32, #tpu.memory_space<vmem>>
      %dma_start3A_256 = arith.constant 128 : i32
      %dma_start3A_257 = arith.constant 0 : i32
      %dma_start3A_258 = tpu.memref_slice %dma_start3A_255[%dma_start3A_256, %dma_start3A_257] : memref<512x64xf32, #tpu.memory_space<vmem>> -> memref<128x64xf32, #tpu.memory_space<vmem>>
      %dma_start3A_259 = arith.constant 0 : i32
      %dma_start3A_260 = tpu.memref_slice %arg5[%sub3A_173, %dma_start3A_259] : memref<2x512xi32, #tpu.memory_space<vmem>> -> memref<1x512xi32, #tpu.memory_space<vmem>>
      %dma_start3A_261 = tpu.memref_squeeze %dma_start3A_260 : memref<1x512xi32, #tpu.memory_space<vmem>> -> memref<512xi32, #tpu.memory_space<vmem>>
      %dma_start3A_262 = arith.constant 128 : i32
      %dma_start3A_263 = tpu.memref_slice %dma_start3A_261[%dma_start3A_262] : memref<512xi32, #tpu.memory_space<vmem>> -> memref<128xi32, #tpu.memory_space<vmem>>
      %dma_start3A_264 = arith.constant 0 : i32
      %dma_start3A_265 = arith.constant 0 : i32
      %dma_start3A_266 = tpu.memref_slice %arg3[%dma_start3A_264, %dma_start3A_265] : memref<1000000x64xf32, #tpu.memory_space<hbm>> -> memref<1000000x64xf32, #tpu.memory_space<hbm>>
      tpu.enqueue_indirect_dma source(%dma_start3A_266 : memref<1000000x64xf32, #tpu.memory_space<hbm>>) target(%dma_start3A_258 : memref<128x64xf32, #tpu.memory_space<vmem>>) offsets(%dma_start3A_263 : memref<128xi32, #tpu.memory_space<vmem>>) semaphore(%arg7 : memref<!tpu.dma_semaphore, #tpu.memory_space<semaphore_mem>>)
      %dma_start3A_267 = arith.constant 0 : i32
      %dma_start3A_268 = arith.constant 0 : i32
      %dma_start3A_269 = tpu.memref_slice %arg6[%sub3A_173, %dma_start3A_267, %dma_start3A_268] : memref<2x512x64xf32, #tpu.memory_space<vmem>> -> memref<1x512x64xf32, #tpu.memory_space<vmem>>
      %dma_start3A_270 = tpu.memref_squeeze %dma_start3A_269 : memref<1x512x64xf32, #tpu.memory_space<vmem>> -> memref<512x64xf32, #tpu.memory_space<vmem>>
      %dma_start3A_271 = arith.constant 256 : i32
      %dma_start3A_272 = arith.constant 0 : i32
      %dma_start3A_273 = tpu.memref_slice %dma_start3A_270[%dma_start3A_271, %dma_start3A_272] : memref<512x64xf32, #tpu.memory_space<vmem>> -> memref<128x64xf32, #tpu.memory_space<vmem>>
      %dma_start3A_274 = arith.constant 0 : i32
      %dma_start3A_275 = tpu.memref_slice %arg5[%sub3A_173, %dma_start3A_274] : memref<2x512xi32, #tpu.memory_space<vmem>> -> memref<1x512xi32, #tpu.memory_space<vmem>>
      %dma_start3A_276 = tpu.memref_squeeze %dma_start3A_275 : memref<1x512xi32, #tpu.memory_space<vmem>> -> memref<512xi32, #tpu.memory_space<vmem>>
      %dma_start3A_277 = arith.constant 256 : i32
      %dma_start3A_278 = tpu.memref_slice %dma_start3A_276[%dma_start3A_277] : memref<512xi32, #tpu.memory_space<vmem>> -> memref<128xi32, #tpu.memory_space<vmem>>
      %dma_start3A_279 = arith.constant 0 : i32
      %dma_start3A_280 = arith.constant 0 : i32
      %dma_start3A_281 = tpu.memref_slice %arg3[%dma_start3A_279, %dma_start3A_280] : memref<1000000x64xf32, #tpu.memory_space<hbm>> -> memref<1000000x64xf32, #tpu.memory_space<hbm>>
      tpu.enqueue_indirect_dma source(%dma_start3A_281 : memref<1000000x64xf32, #tpu.memory_space<hbm>>) target(%dma_start3A_273 : memref<128x64xf32, #tpu.memory_space<vmem>>) offsets(%dma_start3A_278 : memref<128xi32, #tpu.memory_space<vmem>>) semaphore(%arg7 : memref<!tpu.dma_semaphore, #tpu.memory_space<semaphore_mem>>)
      %dma_start3A_282 = arith.constant 0 : i32
      %dma_start3A_283 = arith.constant 0 : i32
      %dma_start3A_284 = tpu.memref_slice %arg6[%sub3A_173, %dma_start3A_282, %dma_start3A_283] : memref<2x512x64xf32, #tpu.memory_space<vmem>> -> memref<1x512x64xf32, #tpu.memory_space<vmem>>
      %dma_start3A_285 = tpu.memref_squeeze %dma_start3A_284 : memref<1x512x64xf32, #tpu.memory_space<vmem>> -> memref<512x64xf32, #tpu.memory_space<vmem>>
      %dma_start3A_286 = arith.constant 384 : i32
      %dma_start3A_287 = arith.constant 0 : i32
      %dma_start3A_288 = tpu.memref_slice %dma_start3A_285[%dma_start3A_286, %dma_start3A_287] : memref<512x64xf32, #tpu.memory_space<vmem>> -> memref<128x64xf32, #tpu.memory_space<vmem>>
      %dma_start3A_289 = arith.constant 0 : i32
      %dma_start3A_290 = tpu.memref_slice %arg5[%sub3A_173, %dma_start3A_289] : memref<2x512xi32, #tpu.memory_space<vmem>> -> memref<1x512xi32, #tpu.memory_space<vmem>>
      %dma_start3A_291 = tpu.memref_squeeze %dma_start3A_290 : memref<1x512xi32, #tpu.memory_space<vmem>> -> memref<512xi32, #tpu.memory_space<vmem>>
      %dma_start3A_292 = arith.constant 384 : i32
      %dma_start3A_293 = tpu.memref_slice %dma_start3A_291[%dma_start3A_292] : memref<512xi32, #tpu.memory_space<vmem>> -> memref<128xi32, #tpu.memory_space<vmem>>
      %dma_start3A_294 = arith.constant 0 : i32
      %dma_start3A_295 = arith.constant 0 : i32
      %dma_start3A_296 = tpu.memref_slice %arg3[%dma_start3A_294, %dma_start3A_295] : memref<1000000x64xf32, #tpu.memory_space<hbm>> -> memref<1000000x64xf32, #tpu.memory_space<hbm>>
      tpu.enqueue_indirect_dma source(%dma_start3A_296 : memref<1000000x64xf32, #tpu.memory_space<hbm>>) target(%dma_start3A_288 : memref<128x64xf32, #tpu.memory_space<vmem>>) offsets(%dma_start3A_293 : memref<128xi32, #tpu.memory_space<vmem>>) semaphore(%arg7 : memref<!tpu.dma_semaphore, #tpu.memory_space<semaphore_mem>>)
    }
    %scan3A_92 = arith.constant 199 : i32
    %rem3A_93 = arith.constant 199 : i32
    %rem3A_94 = arith.constant 2 : i32
    %rem3A_95 = arith.remsi %rem3A_93, %rem3A_94 : i32
    %dma_wait3A = arith.constant 0 : i32
    %dma_wait3A_96 = arith.constant 0 : i32
    %dma_wait3A_97 = tpu.memref_slice %arg6[%rem3A_95, %dma_wait3A, %dma_wait3A_96] : memref<2x512x64xf32, #tpu.memory_space<vmem>> -> memref<1x512x64xf32, #tpu.memory_space<vmem>>
    %dma_wait3A_98 = tpu.memref_squeeze %dma_wait3A_97 : memref<1x512x64xf32, #tpu.memory_space<vmem>> -> memref<512x64xf32, #tpu.memory_space<vmem>>
    %dma_wait3A_99 = arith.constant 0 : i32
    %dma_wait3A_100 = arith.constant 0 : i32
    %dma_wait3A_101 = tpu.memref_slice %arg3[%dma_wait3A_99, %dma_wait3A_100] : memref<1000000x64xf32, #tpu.memory_space<hbm>> -> memref<512x64xf32, #tpu.memory_space<hbm>>
    %dma_wait3A_102 = arith.constant 0 : i32
    %dma_wait3A_103 = arith.constant 0 : i32
    %dma_wait3A_104 = tpu.memref_slice %arg6[%rem3A_95, %dma_wait3A_102, %dma_wait3A_103] : memref<2x512x64xf32, #tpu.memory_space<vmem>> -> memref<1x512x64xf32, #tpu.memory_space<vmem>>
    %dma_wait3A_105 = tpu.memref_squeeze %dma_wait3A_104 : memref<1x512x64xf32, #tpu.memory_space<vmem>> -> memref<512x64xf32, #tpu.memory_space<vmem>>
    %dma_wait3A_106 = arith.constant 0 : i32
    %dma_wait3A_107 = arith.constant 0 : i32
    %dma_wait3A_108 = tpu.memref_slice %arg3[%dma_wait3A_106, %dma_wait3A_107] : memref<1000000x64xf32, #tpu.memory_space<hbm>> -> memref<512x64xf32, #tpu.memory_space<hbm>>
    tpu.wait_dma2 semaphore(%arg7 : memref<!tpu.dma_semaphore, #tpu.memory_space<semaphore_mem>>) src(%dma_wait3A_108 : memref<512x64xf32, #tpu.memory_space<hbm>>) dst(%dma_wait3A_105 : memref<512x64xf32, #tpu.memory_space<vmem>>)
    %sub3A = arith.constant 1 : i32
    %sub3A_109 = arith.subi %sub3A, %rem3A_95 : i32
    %dma_wait3A_110 = arith.constant 0 : i32
    %dma_wait3A_111 = arith.constant 0 : i32
    %dma_wait3A_112 = tpu.memref_slice %arg6[%sub3A_109, %dma_wait3A_110, %dma_wait3A_111] : memref<2x512x64xf32, #tpu.memory_space<vmem>> -> memref<1x512x64xf32, #tpu.memory_space<vmem>>
    %dma_wait3A_113 = tpu.memref_squeeze %dma_wait3A_112 : memref<1x512x64xf32, #tpu.memory_space<vmem>> -> memref<512x64xf32, #tpu.memory_space<vmem>>
    %dma_wait3A_114 = arith.constant 0 : i32
    %dma_wait3A_115 = arith.constant 0 : i32
    %dma_wait3A_116 = tpu.memref_slice %arg4[%dma_wait3A_114, %dma_wait3A_115] : memref<16384x12800xf32, #tpu.memory_space<hbm>> -> memref<512x64xf32, #tpu.memory_space<hbm>>
    %dma_wait3A_117 = arith.constant 0 : i32
    %dma_wait3A_118 = arith.constant 0 : i32
    %dma_wait3A_119 = tpu.memref_slice %arg4[%dma_wait3A_117, %dma_wait3A_118] : memref<16384x12800xf32, #tpu.memory_space<hbm>> -> memref<512x64xf32, #tpu.memory_space<hbm>>
    %dma_wait3A_120 = arith.constant 0 : i32
    %dma_wait3A_121 = arith.constant 0 : i32
    %dma_wait3A_122 = tpu.memref_slice %arg6[%sub3A_109, %dma_wait3A_120, %dma_wait3A_121] : memref<2x512x64xf32, #tpu.memory_space<vmem>> -> memref<1x512x64xf32, #tpu.memory_space<vmem>>
    %dma_wait3A_123 = tpu.memref_squeeze %dma_wait3A_122 : memref<1x512x64xf32, #tpu.memory_space<vmem>> -> memref<512x64xf32, #tpu.memory_space<vmem>>
    tpu.wait_dma2 semaphore(%arg8 : memref<!tpu.dma_semaphore, #tpu.memory_space<semaphore_mem>>) src(%dma_wait3A_123 : memref<512x64xf32, #tpu.memory_space<vmem>>) dst(%dma_wait3A_119 : memref<512x64xf32, #tpu.memory_space<hbm>>)
    %dma_start3A_124 = arith.constant 0 : i32
    %dma_start3A_125 = arith.constant 0 : i32
    %dma_start3A_126 = tpu.memref_slice %arg6[%rem3A_95, %dma_start3A_124, %dma_start3A_125] : memref<2x512x64xf32, #tpu.memory_space<vmem>> -> memref<1x512x64xf32, #tpu.memory_space<vmem>>
    %dma_start3A_127 = tpu.memref_squeeze %dma_start3A_126 : memref<1x512x64xf32, #tpu.memory_space<vmem>> -> memref<512x64xf32, #tpu.memory_space<vmem>>
    %dma_start3A_128 = arith.constant 12736 : i32
    %dma_start3A_129 = tpu.memref_slice %arg4[%mul3A_2, %dma_start3A_128] : memref<16384x12800xf32, #tpu.memory_space<hbm>> -> memref<512x64xf32, #tpu.memory_space<hbm>>
    %dma_start3A_130 = arith.constant 12736 : i32
    %dma_start3A_131 = tpu.memref_slice %arg4[%mul3A_2, %dma_start3A_130] : memref<16384x12800xf32, #tpu.memory_space<hbm>> -> memref<512x64xf32, #tpu.memory_space<hbm>>
    %dma_start3A_132 = arith.constant 0 : i32
    %dma_start3A_133 = arith.constant 0 : i32
    %dma_start3A_134 = tpu.memref_slice %arg6[%rem3A_95, %dma_start3A_132, %dma_start3A_133] : memref<2x512x64xf32, #tpu.memory_space<vmem>> -> memref<1x512x64xf32, #tpu.memory_space<vmem>>
    %dma_start3A_135 = tpu.memref_squeeze %dma_start3A_134 : memref<1x512x64xf32, #tpu.memory_space<vmem>> -> memref<512x64xf32, #tpu.memory_space<vmem>>
    tpu.enqueue_dma source(%dma_start3A_135 : memref<512x64xf32, #tpu.memory_space<vmem>>) target(%dma_start3A_131 : memref<512x64xf32, #tpu.memory_space<hbm>>) target_semaphore(%arg8 : memref<!tpu.dma_semaphore, #tpu.memory_space<semaphore_mem>>)
    %sub3A_136 = arith.constant 1 : i32
    %sub3A_137 = arith.subi %sub3A_136, %rem3A_95 : i32
    %dma_wait3A_138 = arith.constant 0 : i32
    %dma_wait3A_139 = arith.constant 0 : i32
    %dma_wait3A_140 = tpu.memref_slice %arg5[%sub3A_137, %dma_wait3A_139] : memref<2x512xi32, #tpu.memory_space<vmem>> -> memref<1x512xi32, #tpu.memory_space<vmem>>
    %dma_wait3A_141 = tpu.memref_squeeze %dma_wait3A_140 : memref<1x512xi32, #tpu.memory_space<vmem>> -> memref<512xi32, #tpu.memory_space<vmem>>
    %dma_wait3A_142 = arith.constant 0 : i32
    %dma_wait3A_143 = tpu.memref_slice %arg2[%dma_wait3A_138, %dma_wait3A_142] : memref<200x16384xi32, #tpu.memory_space<hbm>> -> memref<1x16384xi32, #tpu.memory_space<hbm>>
    %dma_wait3A_144 = tpu.memref_squeeze %dma_wait3A_143 : memref<1x16384xi32, #tpu.memory_space<hbm>> -> memref<16384xi32, #tpu.memory_space<hbm>>
    %dma_wait3A_145 = arith.constant 0 : i32
    %dma_wait3A_146 = tpu.memref_slice %dma_wait3A_144[%dma_wait3A_145] : memref<16384xi32, #tpu.memory_space<hbm>> -> memref<512xi32, #tpu.memory_space<hbm>>
    %dma_wait3A_147 = arith.constant 0 : i32
    %dma_wait3A_148 = tpu.memref_slice %arg5[%sub3A_137, %dma_wait3A_147] : memref<2x512xi32, #tpu.memory_space<vmem>> -> memref<1x512xi32, #tpu.memory_space<vmem>>
    %dma_wait3A_149 = tpu.memref_squeeze %dma_wait3A_148 : memref<1x512xi32, #tpu.memory_space<vmem>> -> memref<512xi32, #tpu.memory_space<vmem>>
    %dma_wait3A_150 = arith.constant 0 : i32
    %dma_wait3A_151 = tpu.memref_slice %arg2[%dma_wait3A_138, %dma_wait3A_150] : memref<200x16384xi32, #tpu.memory_space<hbm>> -> memref<1x16384xi32, #tpu.memory_space<hbm>>
    %dma_wait3A_152 = tpu.memref_squeeze %dma_wait3A_151 : memref<1x16384xi32, #tpu.memory_space<hbm>> -> memref<16384xi32, #tpu.memory_space<hbm>>
    %dma_wait3A_153 = arith.constant 0 : i32
    %dma_wait3A_154 = tpu.memref_slice %dma_wait3A_152[%dma_wait3A_153] : memref<16384xi32, #tpu.memory_space<hbm>> -> memref<512xi32, #tpu.memory_space<hbm>>
    tpu.wait_dma2 semaphore(%arg9 : memref<!tpu.dma_semaphore, #tpu.memory_space<semaphore_mem>>) src(%dma_wait3A_154 : memref<512xi32, #tpu.memory_space<hbm>>) dst(%dma_wait3A_149 : memref<512xi32, #tpu.memory_space<vmem>>)
    %dma_wait3A_155 = arith.constant 0 : i32
    %dma_wait3A_156 = arith.constant 0 : i32
    %dma_wait3A_157 = tpu.memref_slice %arg6[%rem3A_95, %dma_wait3A_155, %dma_wait3A_156] : memref<2x512x64xf32, #tpu.memory_space<vmem>> -> memref<1x512x64xf32, #tpu.memory_space<vmem>>
    %dma_wait3A_158 = tpu.memref_squeeze %dma_wait3A_157 : memref<1x512x64xf32, #tpu.memory_space<vmem>> -> memref<512x64xf32, #tpu.memory_space<vmem>>
    %dma_wait3A_159 = arith.constant 0 : i32
    %dma_wait3A_160 = arith.constant 0 : i32
    %dma_wait3A_161 = tpu.memref_slice %arg4[%dma_wait3A_159, %dma_wait3A_160] : memref<16384x12800xf32, #tpu.memory_space<hbm>> -> memref<512x64xf32, #tpu.memory_space<hbm>>
    %dma_wait3A_162 = arith.constant 0 : i32
    %dma_wait3A_163 = arith.constant 0 : i32
    %dma_wait3A_164 = tpu.memref_slice %arg4[%dma_wait3A_162, %dma_wait3A_163] : memref<16384x12800xf32, #tpu.memory_space<hbm>> -> memref<512x64xf32, #tpu.memory_space<hbm>>
    %dma_wait3A_165 = arith.constant 0 : i32
    %dma_wait3A_166 = arith.constant 0 : i32
    %dma_wait3A_167 = tpu.memref_slice %arg6[%rem3A_95, %dma_wait3A_165, %dma_wait3A_166] : memref<2x512x64xf32, #tpu.memory_space<vmem>> -> memref<1x512x64xf32, #tpu.memory_space<vmem>>
    %dma_wait3A_168 = tpu.memref_squeeze %dma_wait3A_167 : memref<1x512x64xf32, #tpu.memory_space<vmem>> -> memref<512x64xf32, #tpu.memory_space<vmem>>
    tpu.wait_dma2 semaphore(%arg8 : memref<!tpu.dma_semaphore, #tpu.memory_space<semaphore_mem>>) src(%dma_wait3A_168 : memref<512x64xf32, #tpu.memory_space<vmem>>) dst(%dma_wait3A_164 : memref<512x64xf32, #tpu.memory_space<hbm>>)
    return
  }
}

</mosaic_0001>

<sc_bundles>
// kernel: kernel.3.cloned.1.call-start
scs
__scs_entry_jumppad:
0x0: {  	(pc) =	sbr.rel $0x88, $3  }
0x1: {  	(tag) =	ssettag $0x0;
	lr =	simm.s32 $0x1  }
0x2: {  	[smem:$0x3F9F] =	sst lr;
	_ =	strace $0xD0000000  }
0x3: {  	_ = 	snop  }
0x4: {  	_ = 	snop  }
0x5: {  	_ = 	snop  }
0x6: {  	_ = 	snop  }
0x7: {  	_ = 	snop  }
__scs_overlays_trampoline_lowered:
0x8: {  	[smem:$0x3FAE] =	sst s0  }
0x9: {  	[smem:$0x3FAF] =	sst s1  }
0xa: {  	[smem:$0x3FB0] =	sst s2  }
0xb: {  	[smem:$0x3FB1] =	sst s3  }
0xc: {  	[smem:$0x3FB2] =	sst s4  }
0xd: {  	[smem:$0x3FB3] =	sst s5  }
0xe: {  	[smem:$0x3FB4] =	sst s6  }
0xf: {  	[smem:$0x3FB5] =	sst s7  }
0x10: {  	[smem:$0x3FB6] =	sst s8  }
0x11: {  	[smem:$0x3FB7] =	sst s9;
	s0 =	simm.s32 @!p0 $0x0  }
0x12: {  	s1 =	sld [smem:$0x3F9D];
	s0 =	simm.s32 @p0 $0x1  }
0x13: {  	[smem:$0x3FB8] =	sst s0;
	s0 =	simm.s32 @!p1 $0x0  }
0x14: {  	s2 =	sld [smem:$0x3F9C];
	s0 =	simm.s32 @p1 $0x1  }
0x15: {  	[smem:$0x3FB9] =	sst s0;
	s0 =	simm.s32 @!p2 $0x0  }
0x16: {  	s3 =	sld [smem:$0x3FDB];
	s0 =	simm.s32 @p2 $0x1  }
0x17: {  	s4 =	simm.s32 $0x1BF5;
	[smem:$0x3FBB] =	sst s0  }
0x18: {  	s0 =	sld [smem:$0x3F9E];
	_ =	swait.ge [sflag:s4], $0x0  }
0x19: {  	s7 =	sld [smem:$0x3F9F]  }
0x1a: {  	s8 =	sadd.s32 $0xFFFFE003, lr  }
0x1b: {  	s9 =	sadd.s32 $0xFFFFFEF7, lr;
	s5 =	simm.s32 $0xFFFFFFFF;
	p2 =	slt.u32 s8, $0xFFFFF086  }
0x1c: {  	p1 =	slt.u32 s9, $0xF7A;
	s5 =	simm.s32 @!p2 $0x0  }
0x1d: {  	s5 =	simm.s32 @p1 $0x1;
	p0 =	seq.s32 s7, s2  }
0x1e: {  	s7 =	smul.u32 @!p0 $0xF7A, s2;
	p2 =	seq.s32 @!p0 s5, $0x0  }
0x1f: {  	s9 =	smul.u32 $0xF7A, s1;
	s8 =	simm.s32 @!p0 $0x1BF5;
	p2 =	por !p2, p0  }
0x20: {  	[sflag:s8] =	ssyncset.s32 @!p0 $0xFFFFF086;
	s6 =	sadd.s32 @!p0 s3, s7;
	s7 =	simm.s32 @!p0 $0x108  }
0x21: {  	s3 =	sadd.s32 s3, s9;
	s6 =	sadd.s32 @!p0 $0x88, s6;
	s7 =	simm.s32 @p2 $0x1082  }
0x22: {  	[simem:s7], [sflag:s8] =	dma.local @!p0 [hbm:s6], $0xF7A  }
0x23: {  	s9 =	sor.u32 $0xD0000000, s2;
	s6 =	simm.s32 $0x108;
	_ =	swait.ge @!p0 [sflag:s8], $0x0  }
0x24: {  	s3 =	sadd.s32 $0x88, s3;
	s6 =	simm.s32 @!p1 $0x1082;
	[sflag:s4] =	ssyncset.s32 $0xFFFFF086  }
0x25: {  	[simem:s6], [sflag:s4] =	dma.local [hbm:s3], $0xF7A  }
0x26: {  	[smem:$0x3F9F] =	sst s1;
	(tag) =	ssettag s2;
	_ =	strace s9  }
0x27: {  	s1 =	sld [smem:$0x3FAF]  }
0x28: {  	s2 =	sld [smem:$0x3FB0]  }
0x29: {  	s4 =	sld [smem:$0x3FB2]  }
0x2a: {  	p0 =	seq.s32 s5, $0x0;
	s5 =	sld [smem:$0x3FB3]  }
0x2b: {  	s6 =	sld [smem:$0x3FB4]  }
0x2c: {  	s7 =	sld [smem:$0x3FB5]  }
0x2d: {  	s3 =	simm.s32 $0x108;
	s8 =	sld [smem:$0x3FB6]  }
0x2e: {  	s3 =	simm.s32 @!p0 $0x1082;
	s9 =	sld [smem:$0x3FB7]  }
0x2f: {  	lr =	sadd.s32 s0, s3;
	s0 =	sld [smem:$0x3FAE]  }
0x30: {  	s3 =	sld [smem:$0x3FB1]  }
0x31: {  	[smem:$0x3FBA] =	sst s10  }
0x32: {  	s10 =	sld [smem:$0x3FB8];
	_ =	sdelay $0x3  }
0x33: {  	p0 =	seq.s32 s10, $0x1;
	s10 =	sld [smem:$0x3FBA];
	_ =	sdelay $0x3  }
0x34: {  	[smem:$0x3FBA] =	sst s10  }
0x35: {  	s10 =	sld [smem:$0x3FB9];
	_ =	sdelay $0x3  }
0x36: {  	p1 =	seq.s32 s10, $0x1;
	s10 =	sld [smem:$0x3FBA];
	_ =	sdelay $0x3  }
0x37: {  	[smem:$0x3FBA] =	sst s10  }
0x38: {  	s10 =	sld [smem:$0x3FBB]  }
0x39: {  	_ = 	snop;
	(pc) =	sbr.ind lr, $3  }
0x3a: {  	_ = 	snop  }
0x3b: {  	_ = 	snop  }
0x3c: {  	p2 =	seq.s32 s10, $0x1;
	s10 =	sld [smem:$0x3FBA]  }
0x3d: {  	_ =	shalt  }
0x3e: {  	_ =	shalt  }
0x3f: {  	_ =	shalt  }
0x40: {  	_ =	shalt  }
0x41: {  	_ =	shalt  }
0x42: {  	_ =	shalt  }
0x43: {  	_ =	shalt  }
0x44: {  	_ =	shalt  }
0x45: {  	_ =	shalt  }
0x46: {  	_ =	shalt  }
0x47: {  	_ =	shalt  }
0x48: {  	_ =	shalt  }
0x49: {  	_ =	shalt  }
0x4a: {  	_ =	shalt  }
0x4b: {  	_ =	shalt  }
0x4c: {  	_ =	shalt  }
0x4d: {  	_ =	shalt  }
0x4e: {  	_ =	shalt  }
0x4f: {  	_ =	shalt  }
0x50: {  	_ =	shalt  }
0x51: {  	_ =	shalt  }
0x52: {  	_ =	shalt  }
0x53: {  	_ =	shalt  }
0x54: {  	_ =	shalt  }
0x55: {  	_ =	shalt  }
0x56: {  	_ =	shalt  }
0x57: {  	_ =	shalt  }
0x58: {  	_ =	shalt  }
0x59: {  	_ =	shalt  }
0x5a: {  	_ =	shalt  }
0x5b: {  	_ =	shalt  }
0x5c: {  	_ =	shalt  }
0x5d: {  	_ =	shalt  }
0x5e: {  	_ =	shalt  }
0x5f: {  	_ =	shalt  }
0x60: {  	_ =	shalt  }
0x61: {  	_ =	shalt  }
0x62: {  	_ =	shalt  }
0x63: {  	_ =	shalt  }
0x64: {  	_ =	shalt  }
0x65: {  	_ =	shalt  }
0x66: {  	_ =	shalt  }
0x67: {  	_ =	shalt  }
0x68: {  	_ =	shalt  }
0x69: {  	_ =	shalt  }
0x6a: {  	_ =	shalt  }
0x6b: {  	_ =	shalt  }
0x6c: {  	_ =	shalt  }
0x6d: {  	_ =	shalt  }
0x6e: {  	_ =	shalt  }
0x6f: {  	_ =	shalt  }
0x70: {  	_ =	shalt  }
0x71: {  	_ =	shalt  }
0x72: {  	_ =	shalt  }
0x73: {  	_ =	shalt  }
0x74: {  	_ =	shalt  }
0x75: {  	_ =	shalt  }
0x76: {  	_ =	shalt  }
0x77: {  	_ =	shalt  }
0x78: {  	_ =	shalt  }
0x79: {  	_ =	shalt  }
0x7a: {  	_ =	shalt  }
0x7b: {  	_ =	shalt  }
0x7c: {  	_ =	shalt  }
0x7d: {  	_ =	shalt  }
0x7e: {  	_ =	shalt  }
0x7f: {  	_ =	shalt  }
0x80: {  	_ =	shalt  }
0x81: {  	_ =	shalt  }
0x82: {  	_ =	shalt  }
0x83: {  	_ =	shalt  }
0x84: {  	_ =	shalt  }
0x85: {  	_ =	shalt  }
0x86: {  	_ =	shalt  }
0x87: {  	_ =	shalt  }
.Lfunc_end0:
.L_simem_size_0:
called_computation.1_lowered:
.L_overlay_start_0:
0x88: {  	s2 =	sld [smem:$0x3FD9]  }
0x89: {  	s3 =	sld [smem:$0x3FFE];
	_ =	sdelay $0x1  }
0x8a: {  	s1 =	srdreg.scid  }
0x8b: {  	s0 =	sand.u32 $0x1, s1  }
0x8c: {  	s17 =	sshll.u32 s0, $0xA;
	s2 =	sadd.s32 s3, s2  }
0x8d: {  	s2 =	sadd.s32 s2, s17  }
0x8e: {  	[smem:$0x3FC6] =	sst s2  }
0x8f: {  	_ = 	snop  }
0x90: {  	s2 =	sld [smem:$0x3FD0];
	(tm) =	ssettm $0x1  }
0x91: {  	s18 =	sld [smem:$0x3FFB];
	_ =	sdelay $0x3  }
0x92: {  	_ =	strace s18  }
0x93: {  	s3 =	sld [smem:$0x3FFC];
	_ =	sdelay $0x3  }
0x94: {  	_ =	strace s3  }
0x95: {  	s3 =	sld [smem:$0x3FFD];
	_ =	sdelay $0x3  }
0x96: {  	_ =	strace s3  }
0x97: {  	_ =	strace $0x8FFFFFFF  }
0x98: {  	s19 =	sld [smem:$0x3FDB];
	_ =	sdelay $0x1  }
0x99: {  	s4 =	simm.s32 $_scs_section_size  }
0x9a: {  	s5 =	simm.s32 $_size__tile_overlayer_lowered;
	s6 =	simm.s32 $_tile_overlayer_lowered  }
0x9b: {  	s22 =	simm.s32 $0x1BFF;
	s21 =	sshll.u32 s6, $0x1;
	s3 =	sadd.s32 s4, s19  }
0x9c: {  	s7 =	simm.s32 $0x0;
	s20 =	sshll.u32 s5, $0x1;
	s5 =	sadd.s32 s21, s3  }
0x9d: {  	[timem:s7], [sflag:s22] =	dma.local [hbm:s5], s20  }
0x9e: {  	_ =	swait.ge [sflag:s22], s20  }
0x9f: {  	s4 =	ssub.s32 $0x0, s20;
	[sflag:s22] =	ssyncset.done $0x0  }
0xa0: {  	[sflag:s22] =	ssyncadd.s32 s4;
	_ =	sdelay $0x1  }
0xa1: {  	s23 =	simm.s32 $0x1B8B  }
0xa2: {  	_ =	swait.ge [sflag:s23], $0x1  }
0xa3: {  	[sflag:s23] =	ssyncset.done $0x0  }
0xa4: {  	s25 =	simm.s32 $0x1B8E;
	s24 =	sld [smem:$0x3FFE];
	[sflag:s23] =	ssyncadd.s32 $0xFFFFFFFF  }
0xa5: {  	s26 =	simm.s32 $execute0_lowered;
	[smem:$0x3FD2] =	sst s25  }
0xa6: {  	s5 =	sshll.u32 s26, $0x1;
	_ =	strace $0x80000046;
	[dreg:$0x1] =	wrdreg $0xFFFFFFFF  }
0xa7: {  	s28 =	simm.s32 $_size_execute0_lowered;
	s3 =	sadd.s32 s3, s5;
	[dreg:$0x0] =	wrdreg $0x0  }
0xa8: {  	s5 =	sshll.u32 s28, $0x1;
	[dreg:$0x2] =	wrdreg s3  }
0xa9: {  	[dreg:$0x3] =	wrdreg s5  }
0xaa: {  	[dreg:$0x4] =	wrdreg $0xC0  }
0xab: {  	_ =	task [dreg:s7], $0x5FFFF  }
0xac: {  	[dreg:$0x1] =	wrdreg $0xFFFFFFFF  }
0xad: {  	[dreg:$0x0] =	wrdreg $0x60  }
0xae: {  	[dreg:$0x2] =	wrdreg s24  }
0xaf: {  	[dreg:$0x3] =	wrdreg s2  }
0xb0: {  	[dreg:$0x4] =	wrdreg $0x9  }
0xb1: {  	_ =	task.clear_ibuf [dreg:s7], $0x5FFFF;
	_ =	strace $0x90000046  }
0xb2: {  	s29 =	simm.s32 $0x9;
	_ =	strace $0x80000048  }
0xb3: {  	_ =	swait.ge [sflag:s29], $0x1  }
0xb4: {  	[sflag:s29] =	ssyncadd.s32 $0xFFFFFFFF  }
0xb5: {  	_ =	strace $0x90000048  }
0xb6: {  	_ =	sfence  }
0xb7: {  	s30 =	sld [smem:$0x0];
	_ =	sdelay $0x2  }
0xb8: {  	s31 =	sshll.u32 s1, $0xD;
	s1 =	sshrl.u32 s1, $0x2  }
0xb9: {  	s3 =	sand.u32 $0x4000, s31;
	s1 =	sadd.s32 s1, s30  }
0xba: {  	s0 =	sor.u32 s3, s0;
	s1 =	sshll.u32 s1, $0x11  }
0xbb: {  	s0 =	sor.u32 s1, s0  }
0xbc: {  	s0 =	sadd.s32 $0x8F2B, s0  }
0xbd: {  	[sflag:s0] =	ssyncadd.remote.s32 $0x1  }
0xbe: {  	_ =	sfence.sel $0xFFFF  }
0xbf: {  	[dreg:$0x0] =	wrdreg $0xFFFFFFFF;
	(pc) =	sbr.abs _section_cstart, $3  }
0xc0: {  	[dreg:$0x1] =	wrdreg $0xFFFFFFFF  }
0xc1: {  	_ =	task.clear_ibuf [dreg:s7], $0x2FFFF;
	_ =	strace $0x9FFFFFFF  }
0xc2: {  	(tm) =	ssettm $0x7FFFFFFF  }
0xc3: {  	_ =	shalt  }
tec
execute0_lowered:
.L_overlay_start_1:
0x0: {  	(tag) =	ssettag $0x1  }
0x1: {  	s0 =	rddreg [dreg:$0x0]  }
0x2: {  	s1 =	rddreg [dreg:$0x1];
	s3 =	srdreg.scid  }
0x3: {  	s2 =	simm.s32 $0x0;
	s9 =	stileid.u32;
	s13 =	simm.s32 $0x4  }
0x4: {  	s14 =	simm.s32 $0x80;
	s15 =	simm.s32 $0x400;
	s22 =	simm.s32 $0x200  }
0x5: {  	s28 =	simm.s32 $0x8400;
	s29 =	simm.s32 $0x280;
	s30 =	simm.s32 $0xA400  }
0x6: {  	s31 =	simm.s32 $0x300;
	s17 =	simm.s32 $0x1;
	s18 =	simm.s32 $0x2  }
0x7: {  	s19 =	simm.s32 $0x0;
	s3 =	sand.u32 $0x1, s3;
	[smem:$0x7FF] =	sst s2  }
0x8: {  	s4 =	sshll.u32 s9, $0xA;
	s10 =	sadd.s32 $0x800, s0;
	s9 =	smul.u32 $0xC80000, s9  }
0x9: {  	s16 =	sadd.s32 $0x1000, s0;
	s26 =	sadd.s32 $0x1800, s0;
	s11 =	sadd.s32 $0x2000, s0  }
0xa: {  	s5 =	sshll.u32 s3, $0x9;
	_ =	strace $0x80000047;
	s23 =	ssub.s32 $0x2, s3  }
0xb: {  	s3 =	smul.u32 $0x640000, s3;
	[dreg:$0x3] =	wrdreg s10;
	s6 =	sor.u32 s5, s4  }
0xc: {  	s4 =	sadd.s32 $0x64800, s0;
	s8 =	sshrl.u32 s23, $0x1;
	s0 =	simm.s32 $0xC400  }
0xd: {  	s7 =	smul.u32 $0x640, s6;
	s8 =	ssub.s32 s23, s8;
	s5 =	sshrl.u32 s6, $0x3  }
0xe: {  	s6 =	smul.u32 $0x3200, s6;
	s3 =	sadd.s32 s3, s9;
	s23 =	simm.s32 $0x40  }
0xf: {  	s10 =	sadd.s32 s10, s5;
	s24 =	smax.u32 s8, $0x1;
	s3 =	sor.u32 $0x40, s3  }
0x10: {  	s21 =	sadd.s32 s5, s16;
	s16 =	simm.s32 $0xE400;
	[dreg:$0x4] =	wrdreg s10  }
0x11: {  	s7 =	sadd.s32 s7, s1;
	[dreg:$0x6] =	wrdreg s24;
	s6 =	sshrl.u32 s6, $0x3  }
0x12: {  	s3 =	sshrl.u32 s3, $0x3;
	s24 =	simm.s32 $0x3200;
	s7 =	sadd.s32 $0x638, s7  }
0x13: {  	s25 =	sadd.s32 s1, s6;
	s12 =	sadd.s32 s3, s1;
	[dreg:$0x5] =	wrdreg s7  }
0x14: {  	s1 =	simm.s32 $0x380;
	[dreg:$0x7] =	wrdreg s25;
	s7 =	sadd.s32 $0x630, s25  }
0x15: {  	s25 =	sadd.s32 s5, s26;
	s26 =	simm.s32 $0x3;
	[dreg:$0x8] =	wrdreg s7  }
.LBB2_1:
0x16: {  	s3 =	rddreg [dreg:$0x4]  }
0x17: {  	[tilespmem:s2], [sflag:$0x4] =	stream.linear.gather [hbm4b:s3+s2], $0x200, $0x38;
	[tilespmem:$0x10400] =	vst v63  }
0x18: {  	_ =	swait.ge [sflag:s13], $0x200  }
0x19: {  	[sflag:s13] =	ssyncset.done $0x0  }
0x1a: {  	[sflag:s13] =	ssyncadd.s32 $0xFFFFFE00  }
0x1b: {  	[tilespmem:s15], [sflag:$0x1] =	stream.indirect.gather [hbm4b:s4+s14], $0x40, s2, s14, $0xb8;
	[tilespmem:$0x10400] =	vst v63  }
0x1c: {  	s8 =	simm.s32 $0x2400  }
0x1d: {  	[tilespmem:s8], [sflag:$0x1] =	stream.indirect.gather [hbm4b:s4+s14], $0x40, s14, s14, $0xb8;
	[tilespmem:$0x10400] =	vst v63  }
0x1e: {  	s9 =	simm.s32 $0x100;
	s6 =	simm.s32 $0x4400  }
0x1f: {  	[tilespmem:s6], [sflag:$0x1] =	stream.indirect.gather [hbm4b:s4+s14], $0x40, s9, s14, $0xb8;
	[tilespmem:$0x10400] =	vst v63  }
0x20: {  	s10 =	simm.s32 $0x180;
	s20 =	simm.s32 $0x6400  }
0x21: {  	[tilespmem:s20], [sflag:$0x1] =	stream.indirect.gather [hbm4b:s4+s14], $0x40, s10, s14, $0xb8;
	[tilespmem:$0x10400] =	vst v63  }
0x22: {  	_ = 	snop  }
0x23: {  	[tilespmem:s22], [sflag:$0x3] =	stream.linear.gather [hbm4b:s21+s2], $0x200, $0x38;
	[tilespmem:$0x10400] =	vst v63  }
0x24: {  	_ =	swait.ge [sflag:s17], $0x8000  }
0x25: {  	[sflag:s17] =	ssyncset.done $0x0  }
0x26: {  	s7 =	rddreg [dreg:$0x7];
	[sflag:s17] =	ssyncadd.s32 $0xFFFF8000  }
0x27: {  	[hbm4b:s7+s23] =	stream.strided.scatter [tilespmem:s15], [sflag:$0x2], $0x8000, s24, s23, $0x38;
	[tilespmem:$0x10400] =	vst v63  }
0x28: {  	_ =	swait.ge [sflag:s26], $0x200  }
0x29: {  	[sflag:s26] =	ssyncset.done $0x0  }
0x2a: {  	[sflag:s26] =	ssyncadd.s32 $0xFFFFFE00  }
0x2b: {  	[tilespmem:s2], [sflag:$0x3] =	stream.linear.gather [hbm4b:s25+s2], $0x200, $0x38;
	[tilespmem:$0x10400] =	vst v63  }
0x2c: {  	_ = 	snop  }
0x2d: {  	[tilespmem:s28], [sflag:$0x1] =	stream.indirect.gather [hbm4b:s4+s14], $0x40, s22, s14, $0xb8;
	[tilespmem:$0x10400] =	vst v63  }
0x2e: {  	_ = 	snop  }
0x2f: {  	[tilespmem:s30], [sflag:$0x1] =	stream.indirect.gather [hbm4b:s4+s14], $0x40, s29, s14, $0xb8;
	[tilespmem:$0x10400] =	vst v63  }
0x30: {  	_ = 	snop  }
0x31: {  	[tilespmem:s0], [sflag:$0x1] =	stream.indirect.gather [hbm4b:s4+s14], $0x40, s31, s14, $0xb8;
	[tilespmem:$0x10400] =	vst v63  }
0x32: {  	_ = 	snop  }
0x33: {  	[tilespmem:s16], [sflag:$0x1] =	stream.indirect.gather [hbm4b:s4+s14], $0x40, s1, s14, $0xb8;
	[tilespmem:$0x10400] =	vst v63  }
0x34: {  	_ =	swait.ge [sflag:s17], $0x8000  }
0x35: {  	[sflag:s17] =	ssyncset.done $0x0  }
0x36: {  	[sflag:s17] =	ssyncadd.s32 $0xFFFF8000  }
0x37: {  	s8 =	sand.u32 $0x1, s17;
	_ =	swait.ge [sflag:s18], $0x8000  }
0x38: {  	s9 =	sshll.u32 s8, $0xF;
	[sflag:s18] =	ssyncset.done $0x0  }
0x39: {  	s6 =	sor.u32 $0x400, s9;
	[sflag:s18] =	ssyncadd.s32 $0xFFFF8000  }
0x3a: {  	[hbm4b:s12+s23] =	stream.strided.scatter [tilespmem:s6], [sflag:$0x2], $0x8000, s24, s23, $0x38;
	[tilespmem:$0x10400] =	vst v63  }
0x3b: {  	_ =	swait.ge [sflag:s26], $0x200  }
0x3c: {  	s3 =	sshll.u32 s8, $0x9;
	s10 =	sxor.u32 $0x1, s8;
	[sflag:s26] =	ssyncset.done $0x0  }
0x3d: {  	s8 =	sadd.s32 s5, s11;
	s7 =	sshll.u32 s10, $0xF;
	[sflag:s26] =	ssyncadd.s32 $0xFFFFFE00  }
0x3e: {  	[tilespmem:s3], [sflag:$0x3] =	stream.linear.gather [hbm4b:s8+s2], $0x200, $0x38;
	[tilespmem:$0x10400] =	vst v63  }
0x3f: {  	s20 =	sor.u32 $0x400, s7;
	s6 =	sshll.u32 s10, $0x9  }
0x40: {  	[tilespmem:s20], [sflag:$0x1] =	stream.indirect.gather [hbm4b:s4+s14], $0x40, s6, s14, $0xb8;
	[tilespmem:$0x10400] =	vst v63  }
0x41: {  	s10 =	sor.u32 $0x4400, s7;
	s9 =	sor.u32 $0x80, s6;
	s8 =	sor.u32 $0x2400, s7  }
0x42: {  	[tilespmem:s8], [sflag:$0x1] =	stream.indirect.gather [hbm4b:s4+s14], $0x40, s9, s14, $0xb8;
	[tilespmem:$0x10400] =	vst v63  }
0x43: {  	s3 =	sadd.s32 $0x8, s12;
	s7 =	sor.u32 $0x6400, s7;
	s20 =	sor.u32 $0x100, s6  }
0x44: {  	[tilespmem:s10], [sflag:$0x1] =	stream.indirect.gather [hbm4b:s4+s14], $0x40, s20, s14, $0xb8;
	[tilespmem:$0x10400] =	vst v63  }
0x45: {  	s8 =	sor.u32 $0x180, s6;
	s6 =	sadd.s32 $0x800, s11;
	s20 =	simm.s32 $0x2  }
.LBB2_2:
0x46: {  	[tilespmem:s7], [sflag:$0x1] =	stream.indirect.gather [hbm4b:s4+s14], $0x40, s8, s14, $0xb8;
	[tilespmem:$0x10400] =	vst v63  }
0x47: {  	s7 =	smov.u32 s20  }
0x48: {  	p0 =	sne.s32 s20, $0xC5;
	s20 =	sadd.s32 $0x1, s20;
	_ =	swait.ge [sflag:s17], $0x8000  }
0x49: {  	[sflag:s17] =	ssyncset.done $0x0  }
0x4a: {  	[sflag:s17] =	ssyncadd.s32 $0xFFFF8000  }
0x4b: {  	s7 =	sand.u32 $0x1, s7;
	_ =	swait.ge [sflag:s18], $0x8000  }
0x4c: {  	s8 =	sxor.u32 $0x1, s7;
	s10 =	sshll.u32 s7, $0xF;
	[sflag:s18] =	ssyncset.done $0x0  }
0x4d: {  	s10 =	sor.u32 $0x400, s10;
	s9 =	sshll.u32 s8, $0xF;
	[sflag:s18] =	ssyncadd.s32 $0xFFFF8000  }
0x4e: {  	[hbm4b:s3+s23] =	stream.strided.scatter [tilespmem:s10], [sflag:$0x2], $0x8000, s24, s23, $0x38;
	[tilespmem:$0x10400] =	vst v63  }
0x4f: {  	_ =	swait.ge [sflag:s26], $0x200  }
0x50: {  	[sflag:s26] =	ssyncset.done $0x0  }
0x51: {  	s7 =	sshll.u32 s7, $0x9;
	s10 =	sadd.s32 s5, s6;
	[sflag:s26] =	ssyncadd.s32 $0xFFFFFE00  }
0x52: {  	[tilespmem:s7], [sflag:$0x3] =	stream.linear.gather [hbm4b:s10+s2], $0x200, $0x38;
	[tilespmem:$0x10400] =	vst v63  }
0x53: {  	s8 =	sshll.u32 s8, $0x9;
	s7 =	sor.u32 $0x400, s9  }
0x54: {  	[tilespmem:s7], [sflag:$0x1] =	stream.indirect.gather [hbm4b:s4+s14], $0x40, s8, s14, $0xb8;
	[tilespmem:$0x10400] =	vst v63  }
.Ltmp0:
0x55: {  	s10 =	sor.u32 $0x80, s8;
	s7 =	sor.u32 $0x2400, s9;
	(pc) =	sbr.rel @p0 .LBB2_2-.Ltmp0, $4  }
0x56: {  	[tilespmem:s7], [sflag:$0x1] =	stream.indirect.gather [hbm4b:s4+s14], $0x40, s10, s14, $0xb8;
	[tilespmem:$0x10400] =	vst v63  }
0x57: {  	s3 =	sadd.s32 $0x8, s3;
	s7 =	sor.u32 $0x4400, s9;
	s10 =	sor.u32 $0x100, s8  }
0x58: {  	[tilespmem:s7], [sflag:$0x1] =	stream.indirect.gather [hbm4b:s4+s14], $0x40, s10, s14, $0xb8;
	[tilespmem:$0x10400] =	vst v63  }
0x59: {  	s6 =	sadd.s32 $0x800, s6;
	s8 =	sor.u32 $0x180, s8;
	s7 =	sor.u32 $0x6400, s9  }
0x5a: {  	[tilespmem:s7], [sflag:$0x1] =	stream.indirect.gather [hbm4b:s4+s14], $0x40, s8, s14, $0xb8;
	[tilespmem:$0x10400] =	vst v63  }
0x5b: {  	_ =	swait.ge [sflag:s17], $0x8000  }
0x5c: {  	[sflag:s17] =	ssyncset.done $0x0  }
0x5d: {  	[sflag:s17] =	ssyncadd.s32 $0xFFFF8000  }
0x5e: {  	_ =	swait.ge [sflag:s18], $0x8000  }
0x5f: {  	[sflag:s18] =	ssyncset.done $0x0  }
0x60: {  	s3 =	rddreg [dreg:$0x8];
	[sflag:s18] =	ssyncadd.s32 $0xFFFF8000  }
0x61: {  	[hbm4b:s3+s23] =	stream.strided.scatter [tilespmem:s15], [sflag:$0x2], $0x8000, s24, s23, $0x38;
	[tilespmem:$0x10400] =	vst v63  }
0x62: {  	_ =	swait.ge [sflag:s26], $0x200  }
0x63: {  	[sflag:s26] =	ssyncset.done $0x0;
	s9 =	rddreg [dreg:$0x3]  }
0x64: {  	[sflag:s26] =	ssyncadd.s32 $0xFFFFFE00;
	s3 =	sadd.s32 s5, s9  }
0x65: {  	[tilespmem:s2], [sflag:$0x3] =	stream.linear.gather [hbm4b:s3+s2], $0x200, $0x38;
	[tilespmem:$0x10400] =	vst v63  }
0x66: {  	_ = 	snop  }
0x67: {  	[tilespmem:s28], [sflag:$0x1] =	stream.indirect.gather [hbm4b:s4+s14], $0x40, s22, s14, $0xb8;
	[tilespmem:$0x10400] =	vst v63  }
0x68: {  	_ = 	snop  }
0x69: {  	[tilespmem:s30], [sflag:$0x1] =	stream.indirect.gather [hbm4b:s4+s14], $0x40, s29, s14, $0xb8;
	[tilespmem:$0x10400] =	vst v63  }
0x6a: {  	_ = 	snop  }
0x6b: {  	[tilespmem:s0], [sflag:$0x1] =	stream.indirect.gather [hbm4b:s4+s14], $0x40, s31, s14, $0xb8;
	[tilespmem:$0x10400] =	vst v63  }
0x6c: {  	_ = 	snop  }
0x6d: {  	[tilespmem:s16], [sflag:$0x1] =	stream.indirect.gather [hbm4b:s4+s14], $0x40, s1, s14, $0xb8;
	[tilespmem:$0x10400] =	vst v63  }
0x6e: {  	_ =	swait.ge [sflag:s17], $0x8000  }
0x6f: {  	[sflag:s17] =	ssyncset.done $0x0  }
0x70: {  	[sflag:s17] =	ssyncadd.s32 $0xFFFF8000  }
0x71: {  	_ =	swait.ge [sflag:s18], $0x8000  }
0x72: {  	[sflag:s18] =	ssyncset.done $0x0  }
0x73: {  	s10 =	rddreg [dreg:$0x5];
	[sflag:s18] =	ssyncadd.s32 $0xFFFF8000  }
0x74: {  	[hbm4b:s10+s23] =	stream.strided.scatter [tilespmem:s28], [sflag:$0x2], $0x8000, s24, s23, $0x38;
	[tilespmem:$0x10400] =	vst v63  }
0x75: {  	_ =	swait.ge [sflag:s26], $0x200  }
0x76: {  	[sflag:s26] =	ssyncset.done $0x0  }
0x77: {  	[sflag:s26] =	ssyncadd.s32 $0xFFFFFE00  }
0x78: {  	_ =	swait.ge [sflag:s18], $0x8000  }
0x79: {  	s19 =	sadd.s32 $0x1, s19;
	s20 =	rddreg [dreg:$0x6]  }
0x7a: {  	p0 =	sne.s32 s19, s20  }
.Ltmp1:
0x7b: {  	_ = 	snop;
	(pc) =	sbr.rel @p0 .LBB2_1-.Ltmp1, $3  }
0x7c: {  	_ =	sdelay $0x1  }
0x7d: {  	[sflag:s18] =	ssyncset.done $0x0  }
0x7e: {  	[sflag:s18] =	ssyncadd.s32 $0xFFFF8000  }
0x7f: {  	_ =	sfence.sel $0x180000  }
0x80: {  	[bflag:$0x0] =	sbarrier.arrive $0xFFFF  }
0x81: {  	_ =	strace $0x90000047  }
0x82: {  	s0 =	stileid.u32;
	[bflag:$0x2] =	sbarrier.arrive $0xFFFF  }
0x83: {  	p0 =	sne.s32 s0, $0x0;
	s0 =	rddreg [dreg:$0x2]  }
0x84: {  	s0 =	sadd.s32 @!p0 $0x100000, s0  }
0x85: {  	[sflag:s0] =	ssyncadd.tile.s32 @!p0 $0x1;
	_ =	shalt  }
.Lfunc_end2:
_tile_overlayer_lowered:
.L_overlay_start_2:
0x86: {  	(tag) =	ssettag $0x2  }
0x87: {  	s0 =	rddreg [dreg:$0x0];
	s2 =	stileid.u32  }
0x88: {  	s1 =	rddreg [dreg:$0x1];
	p0 =	sne.s32 s2, $0x0  }
0x89: {  	s3 =	rddreg [dreg:$0x2];
	[bflag:$0x3] =	sbarrier.arrive $0xFFFF;
	s2 =	simm.s32 @!p0 $0x1C04  }
0x8a: {  	[timem:s3], [sflag:s2] =	dma.local @!p0 [hbm:s0], s1  }
0x8b: {  	s0 =	simm.s32 @!p0 $0x4  }
0x8c: {  	_ =	swait.ge @!p0 [sflag:s0], s1  }
0x8d: {  	s1 =	ssub.s32 @!p0 $0x0, s1;
	[sflag:s0] =	ssyncset.done @!p0 $0x0  }
0x8e: {  	[sflag:s0] =	ssyncadd.s32 @!p0 s1  }
0x8f: {  	[bflag:$0x3] =	sbarrier.arrive $0xFFFF  }
0x90: {  	_ =	shalt  }

// kernel: sparse-core-data-format-call.cloned.1.call-start
scs
called_computation_lowered:
.L_overlay_start_0:
0x0: {  	s2 =	sld [smem:$0x3FD9]  }
0x1: {  	s3 =	sld [smem:$0x3FFE];
	_ =	sdelay $0x1  }
0x2: {  	s1 =	srdreg.scid  }
0x3: {  	s0 =	sand.u32 $0x1, s1  }
0x4: {  	s18 =	sshll.u32 s0, $0xA;
	s2 =	sadd.s32 s3, s2  }
0x5: {  	s2 =	sadd.s32 s2, s18  }
0x6: {  	[smem:$0x3FC6] =	sst s2  }
0x7: {  	_ = 	snop  }
0x8: {  	s2 =	sld [smem:$0x3FD0];
	(tm) =	ssettm $0x1  }
0x9: {  	s19 =	sld [smem:$0x3FFB];
	_ =	sdelay $0x3  }
0xa: {  	_ =	strace s19  }
0xb: {  	s3 =	sld [smem:$0x3FFC];
	_ =	sdelay $0x3  }
0xc: {  	_ =	strace s3  }
0xd: {  	s3 =	sld [smem:$0x3FFD];
	_ =	sdelay $0x3  }
0xe: {  	_ =	strace s3  }
0xf: {  	_ =	strace $0x8FFFFFFF  }
0x10: {  	s20 =	sld [smem:$0x3FDB];
	_ =	sdelay $0x1  }
0x11: {  	s4 =	simm.s32 $_scs_section_size  }
0x12: {  	s5 =	simm.s32 $_size__tile_overlayer_lowered;
	s6 =	simm.s32 $_tile_overlayer_lowered  }
0x13: {  	s23 =	simm.s32 $0x1BFF;
	s22 =	sshll.u32 s6, $0x1;
	s3 =	sadd.s32 s4, s20  }
0x14: {  	s7 =	simm.s32 $0x0;
	s21 =	sshll.u32 s5, $0x1;
	s5 =	sadd.s32 s22, s3  }
0x15: {  	[timem:s7], [sflag:s23] =	dma.local [hbm:s5], s21  }
0x16: {  	_ =	swait.ge [sflag:s23], s21  }
0x17: {  	s4 =	ssub.s32 $0x0, s21;
	[sflag:s23] =	ssyncset.done $0x0  }
0x18: {  	[sflag:s23] =	ssyncadd.s32 s4;
	_ =	sdelay $0x1  }
0x19: {  	s24 =	simm.s32 $0x1B8B  }
0x1a: {  	_ =	swait.ge [sflag:s24], $0x1  }
0x1b: {  	[sflag:s24] =	ssyncset.done $0x0  }
0x1c: {  	s26 =	simm.s32 $0x1B8E;
	s25 =	sld [smem:$0x3FFE];
	[sflag:s24] =	ssyncadd.s32 $0xFFFFFFFF  }
0x1d: {  	s27 =	simm.s32 $execute0_lowered;
	[smem:$0x3FD2] =	sst s26  }
0x1e: {  	s5 =	sshll.u32 s27, $0x1;
	_ =	strace $0x80000049;
	[dreg:$0x1] =	wrdreg $0xFFFFFFFF  }
0x1f: {  	s28 =	simm.s32 $_size_execute0_lowered;
	s3 =	sadd.s32 s3, s5;
	[dreg:$0x0] =	wrdreg $0x0  }
0x20: {  	s5 =	sshll.u32 s28, $0x1;
	[dreg:$0x2] =	wrdreg s3  }
0x21: {  	[dreg:$0x3] =	wrdreg s5  }
0x22: {  	[dreg:$0x4] =	wrdreg $0xC0  }
0x23: {  	_ =	task [dreg:s7], $0x5FFFF  }
0x24: {  	[dreg:$0x1] =	wrdreg $0xFFFFFFFF  }
0x25: {  	[dreg:$0x0] =	wrdreg $0x60  }
0x26: {  	[dreg:$0x2] =	wrdreg s25  }
0x27: {  	[dreg:$0x3] =	wrdreg s2  }
0x28: {  	[dreg:$0x4] =	wrdreg $0x9  }
0x29: {  	_ =	task.clear_ibuf [dreg:s7], $0x5FFFF;
	_ =	strace $0x90000049  }
0x2a: {  	s29 =	simm.s32 $0x9;
	_ =	strace $0x8000004B  }
0x2b: {  	_ =	swait.ge [sflag:s29], $0x1  }
0x2c: {  	[sflag:s29] =	ssyncadd.s32 $0xFFFFFFFF  }
0x2d: {  	_ =	strace $0x9000004B  }
0x2e: {  	_ =	sfence  }
0x2f: {  	s30 =	sld [smem:$0x0];
	_ =	sdelay $0x2  }
0x30: {  	s31 =	sshll.u32 s1, $0xD;
	s1 =	sshrl.u32 s1, $0x2  }
0x31: {  	s3 =	sand.u32 $0x4000, s31;
	s1 =	sadd.s32 s1, s30  }
0x32: {  	s0 =	sor.u32 s3, s0;
	s1 =	sshll.u32 s1, $0x11  }
0x33: {  	s0 =	sor.u32 s1, s0  }
0x34: {  	s0 =	sadd.s32 $0x8F2B, s0  }
0x35: {  	[sflag:s0] =	ssyncadd.remote.s32 $0x1  }
0x36: {  	_ =	sfence.sel $0xFFFF  }
0x37: {  	[dreg:$0x0] =	wrdreg $0xFFFFFFFF;
	(pc) =	sbr.abs _section_cstart, $3  }
0x38: {  	[dreg:$0x1] =	wrdreg $0xFFFFFFFF  }
0x39: {  	_ =	task.clear_ibuf [dreg:s7], $0x2FFFF;
	_ =	strace $0x9FFFFFFF  }
0x3a: {  	(tm) =	ssettm $0x7FFFFFFF  }
0x3b: {  	_ =	shalt  }
tec
execute0_lowered:
.L_overlay_start_1:
0x0: {  	(tag) =	ssettag $0x1  }
0x1: {  	s0 =	srdreg.scid  }
0x2: {  	s1 =	sshll.u32 s0, $0x4  }
0x3: {  	s0 =	stileid.u32;
	s1 =	sand.u32 $0x10, s1  }
0x4: {  	s1 =	sor.u32 s0, s1  }
0x5: {  	s6 =	rddreg [dreg:$0x0];
	s4 =	simm.s32 $0x1;
	s2 =	sshll.u32 s1, $0x7  }
0x6: {  	s7 =	simm.s32 $0x2;
	s13 =	simm.s32 $0x0;
	s1 =	ssub.s32 $0x4000, s2  }
0x7: {  	s8 =	simm.s32 $0x20000;
	s12 =	simm.s32 $0x0;
	s3 =	sand.u32 $0xF80, s1  }
0x8: {  	s9 =	simm.s32 $0x0;
	s5 =	sshrl.u32 s1, $0xC;
	p0 =	sne.s32 s3, $0x0  }
.Ltmp0:
0x9: {  	s1 =	rddreg [dreg:$0x2];
	s4 =	simm.s32 @!p0 $0x0;
	(pc) =	sbr.rel .LBB1_1-.Ltmp0, $4  }
0xa: {  	s11 =	simm.s32 $0x0;
	s3 =	rddreg [dreg:$0x1];
	s5 =	sadd.s32 s4, s5  }
0xb: {  	_ =	strace $0x8000004A;
	s4 =	simm.s32 $0x1;
	s5 =	smul.u32 $0x64, s5  }
0xc: {  	s6 =	sadd.s32 $0x800, s6;
	s10 =	smov.u32 s2;
	[sflag:s4] =	ssyncpa.u1 $0x0  }
0xd: {  	p0 =	por $0x0, $0x0;
	[sflag:s7] =	ssyncpa.u1 $0x0;
	s7 =	sor.u32 $0x1, s5  }
.LBB1_4:
0xe: {  	v5 =	vld [tilespmem:s16+$0xFFFFFFD0];
	[tilespmem:s17+$0x2040 ss:$0x81] =	vst.msk $0xffff, v3  }
0xf: {  	v58 =	vld [tilespmem:s16+$0xFFFFFFE0];
	[tilespmem:s17+$0x2850 ss:$0x81] =	vst.msk $0xffff, v4;
	s19 =	sshll.u32 s13, $0xE;
	s20 =	sshll.u32 s12, $0x3  }
0x10: {  	s18 =	sshra.s32 s18, $0x2;
	v59 =	vld [tilespmem:s16+$0xFFFFFFF0];
	[tilespmem:s17+$0x3060 ss:$0x81] =	vst.msk $0xffff, v2;
	s19 =	sand.u32 $0xFFFE0000, s19;
	s21 =	sand.u32 $0xFFFFFC00, s20  }
0x11: {  	[tilespmem:s17+$0x0 ss:$0x81] =	vst.msk $0xffff, v0;
	v60 =	vld [tilespmem:s16+$0x0];
	s15 =	sadd.s32 s18, s15;
	s25 =	sadd.s32 s21, s19  }
0x12: {  	v61 =	vld [tilespmem:s16+$0x10];
	[tilespmem:s15+$0x3870 ss:$0x81] =	vst.msk $0xffff, v1;
	s17 =	sshrl.u32 s25, $0xE  }
0x13: {  	v62 =	vld [tilespmem:s16+$0x20];
	s26 =	smulhi.u32 $0x51EB9, s17;
	[tilespmem:s15+$0x810 ss:$0x81] =	vst.msk $0xffff, v5  }
0x14: {  	v63 =	vld [tilespmem:s16+$0xFFFFFFC0];
	s27 =	sand.u32 $0x78, s12;
	s28 =	sshll.u32 s13, $0x7;
	s29 =	sand.u32 $0x3C00, s20;
	[tilespmem:s15+$0x1020 ss:$0x81] =	vst.msk $0xffff, v58  }
0x15: {  	s13 =	sand.u32 $0x380, s28;
	s16 =	sor.u32 s27, s29;
	[tilespmem:s15+$0x1830 ss:$0x81] =	vst.msk $0xffff, v59;
	s18 =	smul.u32 $0x3200, s26  }
0x16: {  	s13 =	sor.u32 s13, s16;
	[tilespmem:s15+$0x2040 ss:$0x81] =	vst.msk $0xffff, v60  }
0x17: {  	s31 =	sand.u32 $0x7, s12;
	s13 =	sshrl.u32 s13, $0x3;
	[tilespmem:s15+$0x2850 ss:$0x81] =	vst.msk $0xffff, v61;
	s30 =	ssub.s32 s17, s18  }
0x18: {  	s12 =	sshll.u32 s31, $0x12;
	[tilespmem:s15+$0x3060 ss:$0x81] =	vst.msk $0xffff, v62;
	s13 =	sadd.s32 s3, s13;
	s16 =	sshll.u32 s30, $0xB  }
0x19: {  	s12 =	sor.u32 $0x400, s12;
	[tilespmem:s15+$0x0 ss:$0x81] =	vst.msk $0xffff, v63;
	s13 =	sadd.s32 s16, s13  }
0x1a: {  	[hbm4b:s13+s12] =	stream.strided.scatter [tilespmem:s14], [sflag:$0x2], $0x4000, s8, s12, $0x20;
	[tilespmem:$0x10100] =	vst v63  }
.LBB1_5:
0x1b: {  	s14 =	sadd.s32 $0x80, s9  }
0x1c: {  	s12 =	sadd.s32 $0x1000, s10;
	s16 =	smov.u32 s10;
	p2 =	sgt.s32 s14, $0x31FF  }
0x1d: {  	s16 =	smov.u32 @p2 s12  }
0x1e: {  	s14 =	simm.s32 @p2 $0x0;
	p2 =	sgt.s32 s16, $0x3FFF  }
0x1f: {  	s16 =	smov.u32 @p2 s2;
	p2 =	sne.s32 s11, s7  }
.Ltmp1:
0x20: {  	p1 =	slt.u32 s11, $0x2;
	(pc) =	sbr.rel @!p2 .LBB1_6-.Ltmp1, $4  }
0x21: {  	s15 =	simm.s32 @!p1 $0x2  }
0x22: {  	s13 =	smov.u32 s9;
	p0 =	por !p0, !p0;
	_ =	swait.ge @!p1 [sflag:s15], $0x4000  }
0x23: {  	s12 =	smov.u32 s10;
	[sflag:s15] =	ssyncset.done @!p1 $0x0;
	s9 =	smov.u32 s14  }
0x24: {  	s11 =	sadd.s32 $0x1, s11;
	[sflag:s15] =	ssyncadd.s32 @!p1 $0xFFFFC000;
	s10 =	smov.u32 s16  }
.LBB1_1:
0x25: {  	p1 =	sge.u32 s11, s5  }
0x26: {  	s14 =	sshrl.u32 @!p1 s10, $0x3  }
0x27: {  	s15 =	sshll.u32 @!p1 s9, $0x3;
	s14 =	smul.u32 @!p1 $0x19000, s14  }
0x28: {  	s16 =	sshll.u32 @!p1 s10, $0x7;
	s15 =	sand.u32 @!p1 $0xFFFFFC00, s15  }
0x29: {  	s14 =	sadd.s32 @!p1 s14, s15;
	s15 =	sand.u32 @!p1 $0x380, s16  }
0x2a: {  	s16 =	sand.u32 @!p1 $0x7F, s9;
	s14 =	sor.u32 @!p1 s15, s14  }
0x2b: {  	s15 =	sor.u32 @!p1 s16, s14  }
0x2c: {  	s16 =	smulhi.u32 @!p1 $0x51EB851F, s15;
	_ =	sdelay $0x1  }
0x2d: {  	s14 =	smulhi.u32 @!p1 $0x51EB851F, s14;
	s16 =	sshrl.u32 @!p1 s16, $0xC  }
0x2e: {  	s16 =	smul.u32 @!p1 $0x3200, s16  }
0x2f: {  	s31 =	sadd.s32 $0xFFFFFFFF, s11;
	s17 =	sxor.u32 @!p1 $0xFFFFFFFF, s11;
	s14 =	sshrl.u32 @!p1 s14, $0xC  }
0x30: {  	s17 =	sshll.u32 @!p1 s17, $0xE;
	s14 =	sand.u32 @!p1 $0x3FFF, s14;
	s15 =	ssub.s32 @!p1 s15, s16  }
0x31: {  	s14 =	smul.u32 @!p1 $0x640, s14;
	s16 =	sshrl.u32 @!p1 s15, $0x3;
	s15 =	sand.u32 @!p1 $0x7, s15  }
0x32: {  	s17 =	sand.u32 @!p1 $0x4000, s17;
	s16 =	sadd.s32 @!p1 s6, s16;
	s15 =	sshll.u32 @!p1 s15, $0x12  }
0x33: {  	s14 =	sadd.s32 @!p1 s14, s16;
	s15 =	sor.u32 @!p1 $0x400, s15;
	s16 =	simm.s32 @!p1 $0x19000  }
0x34: {  	[tilespmem:s17], [sflag:$0x1] =	stream.strided.gather @!p1 [hbm4b:s14+s15], $0x4000, s16, s15, $0x38;
	[tilespmem:$0x10100] =	vst v63  }
0x35: {  	p1 =	sge.u32 s31, s5  }
.Ltmp2:
0x36: {  	_ = 	snop;
	(pc) =	sbr.rel @p1 .LBB1_5-.Ltmp2, $1  }
0x37: {  	_ =	sdelay $0x3  }
0x38: {  	s14 =	simm.s32 $0x1  }
0x39: {  	_ =	swait.ge [sflag:s4], $0x4000;
	s14 =	simm.s32 @!p0 $0x0  }
0x3a: {  	[sflag:s4] =	ssyncset.done $0x0;
	s15 =	sshll.u32 s14, $0xE  }
0x3b: {  	[sflag:s4] =	ssyncadd.s32 $0xFFFFC000;
	s16 =	sor.u32 $0x40, s15  }
0x3c: {  	s14 =	smul.u32 $0x10200, s14;
	v0 =	vld [tilespmem:s16+$0x30]  }
0x3d: {  	v1 =	vld [tilespmem:s16+$0xFFFFFFD0]  }
0x3e: {  	s14 =	sshrl.u32 s14, $0x2;
	v5 =	vld [tilespmem:s16+$0xFFFFFFE0]  }
0x3f: {  	v6 =	vld [tilespmem:s16+$0xFFFFFFF0];
	s15 =	sor.u32 $0x8000, s14  }
0x40: {  	s31 =	sand.u32 $0x1, s11;
	v3 =	vld [tilespmem:s16+$0x0];
	s17 =	sadd.s32 $0x0, s15  }
0x41: {  	v4 =	vld [tilespmem:s16+$0x10];
	s14 =	smul.u32 $0x10200, s31;
	[tilespmem:s17+$0x3870 ss:$0x81] =	vst.msk $0xffff, v0  }
0x42: {  	v2 =	vld [tilespmem:s16+$0x20];
	[tilespmem:s17+$0x810 ss:$0x81] =	vst.msk $0xffff, v1  }
0x43: {  	s14 =	sshrl.u32 s14, $0x2;
	v0 =	vld [tilespmem:s16+$0xFFFFFFC0];
	[tilespmem:s17+$0x1020 ss:$0x81] =	vst.msk $0xffff, v5;
	s16 =	sadd.s32 $0x80, s16  }
0x44: {  	s18 =	simm.s32 $0x4;
	s19 =	simm.s32 $0x8;
	s14 =	sor.u32 $0x8000, s14;
	[tilespmem:s17+$0x1830 ss:$0x81] =	vst.msk $0xffff, v6;
	v1 =	vld [tilespmem:s16+$0x30]  }
.LBB1_3:
0x45: {  	p1 =	sne.s32 s19, $0x1FC;
	v5 =	vld [tilespmem:s16+$0xFFFFFFD0];
	[tilespmem:s17+$0x2040 ss:$0x81] =	vst.msk $0xffff, v3  }
0x46: {  	v6 =	vld [tilespmem:s16+$0xFFFFFFE0];
	[tilespmem:s17+$0x2850 ss:$0x81] =	vst.msk $0xffff, v4  }
0x47: {  	s20 =	sshra.s32 s18, $0x2;
	s18 =	smov.u32 s19;
	v7 =	vld [tilespmem:s16+$0xFFFFFFF0];
	[tilespmem:s17+$0x3060 ss:$0x81] =	vst.msk $0xffff, v2  }
.Ltmp3:
0x48: {  	v3 =	vld [tilespmem:s16+$0x0];
	[tilespmem:s17+$0x0 ss:$0x81] =	vst.msk $0xffff, v0;
	s17 =	sadd.s32 s20, s15;
	(pc) =	sbr.rel @p1 .LBB1_3-.Ltmp3, $4  }
0x49: {  	v4 =	vld [tilespmem:s16+$0x10];
	[tilespmem:s17+$0x3870 ss:$0x81] =	vst.msk $0xffff, v1  }
0x4a: {  	[tilespmem:s17+$0x810 ss:$0x81] =	vst.msk $0xffff, v5;
	v2 =	vld [tilespmem:s16+$0x20]  }
0x4b: {  	v0 =	vld [tilespmem:s16+$0xFFFFFFC0];
	[tilespmem:s17+$0x1020 ss:$0x81] =	vst.msk $0xffff, v6;
	s16 =	sadd.s32 $0x80, s16  }
0x4c: {  	s19 =	sadd.s32 $0x4, s19;
	v1 =	vld [tilespmem:s16+$0x30];
	[tilespmem:s17+$0x1830 ss:$0x81] =	vst.msk $0xffff, v7  }
.Ltmp4:
0x4d: {  	_ = 	snop;
	(pc) =	sbr.rel .LBB1_4-.Ltmp4, $1  }
0x4e: {  	_ =	sdelay $0x3  }
.LBB1_6:
0x4f: {  	_ =	sfence.sel $0x180000  }
0x50: {  	s2 =	simm.s32 $0x1;
	[bflag:$0x0] =	sbarrier.arrive $0xFFFF  }
0x51: {  	s31 =	simm.s32 $0x2;
	[sflag:s2] =	ssyncpa.u1 $0x1  }
0x52: {  	[sflag:s31] =	ssyncpa.u1 $0x1  }
0x53: {  	p0 =	sne.s32 s0, $0x0;
	_ =	strace $0x9000004A  }
0x54: {  	s0 =	sadd.s32 @!p0 $0x100000, s1;
	[bflag:$0x2] =	sbarrier.arrive $0xFFFF  }
0x55: {  	[sflag:s0] =	ssyncadd.tile.s32 @!p0 $0x1;
	_ =	shalt  }
.Lfunc_end1:
_tile_overlayer_lowered:
.L_overlay_start_2:
0x56: {  	(tag) =	ssettag $0x2  }
0x57: {  	s0 =	rddreg [dreg:$0x0];
	s2 =	stileid.u32  }
0x58: {  	s1 =	rddreg [dreg:$0x1];
	p0 =	sne.s32 s2, $0x0  }
0x59: {  	s3 =	rddreg [dreg:$0x2];
	[bflag:$0x3] =	sbarrier.arrive $0xFFFF;
	s2 =	simm.s32 @!p0 $0x1C01  }
0x5a: {  	[timem:s3], [sflag:s2] =	dma.local @!p0 [hbm:s0], s1  }
0x5b: {  	s0 =	simm.s32 @!p0 $0x1  }
0x5c: {  	_ =	swait.ge @!p0 [sflag:s0], s1  }
0x5d: {  	s1 =	ssub.s32 @!p0 $0x0, s1;
	[sflag:s0] =	ssyncset.done @!p0 $0x0  }
0x5e: {  	[sflag:s0] =	ssyncadd.s32 @!p0 s1  }
0x5f: {  	[bflag:$0x3] =	sbarrier.arrive $0xFFFF  }
0x60: {  	_ =	shalt  }

</sc_bundles>
